<compile_context>
chip_gen: v7x
topology: tpu7x:2x2x1
jax: 0.10.2.dev20260603
libtpu: 0.0.44.dev20260713+nightly
codegen_flags: <defaults>
</compile_context>

<pallas_src>
import functools

import jax
import jax.numpy as jnp
from jax import lax
from jax.experimental import pallas as pl
from jax.experimental.pallas import tpu as pltpu
from jax.experimental.pallas import tpu_sc as plsc

B, D, L = 4, 1024, 8192
NC, NS, LANES = 2, 16, 16
NW = NC * NS
DSLAB = 16
LCH = 512
NCH = L // LCH
NP = NCH // 2
GPC = LCH // LANES


def _sc_body(x_hbm, t_hbm, o_hbm, tb0, tb1, xb0, xb1, si0, si1, so0, so1):
    wid = lax.axis_index("s") * NC + lax.axis_index("c")
    d0 = wid * DSLAB
    lane = lax.iota(jnp.int32, LANES)
    tbufs, xbufs = [tb0, tb1], [xb0, xb1]
    isems, osems = [si0, si1], [so0, so1]

    def fire_in(c, s):
        l0 = c * LCH
        pltpu.async_copy(
            t_hbm.at[pl.ds(l0, LCH), pl.ds(d0, DSLAB)], tbufs[s], isems[s]
        )
        for b in range(B):
            pltpu.async_copy(
                x_hbm.at[b, pl.ds(d0, DSLAB), pl.ds(l0, LCH)],
                xbufs[s].at[b],
                isems[s],
            )

    def drain_in(s):
        pltpu.make_async_copy(
            t_hbm.at[pl.ds(0, LCH), pl.ds(d0, DSLAB)], tbufs[s], isems[s]
        ).wait()
        for b in range(B):
            pltpu.make_async_copy(
                x_hbm.at[b, pl.ds(d0, DSLAB), pl.ds(0, LCH)],
                xbufs[s].at[b],
                isems[s],
            ).wait()

    def fire_out(c, s):
        l0 = c * LCH
        for b in range(B):
            pltpu.async_copy(
                xbufs[s].at[b],
                o_hbm.at[b, pl.ds(d0, DSLAB), pl.ds(l0, LCH)],
                osems[s],
            )

    def drain_out(s):
        for b in range(B):
            pltpu.make_async_copy(
                xbufs[s].at[b],
                o_hbm.at[b, pl.ds(d0, DSLAB), pl.ds(0, LCH)],
                osems[s],
            ).wait()

    def compute(s):
        tbuf, xbuf = tbufs[s], xbufs[s]

        @plsc.parallel_loop(0, DSLAB * GPC, 1, unroll=8)
        def _(i):
            d = i >> 5
            g = i & (GPC - 1)
            ape = plsc.load_gather(
                tbuf, [g * LANES + lane, jnp.full((LANES,), d, jnp.int32)]
            )
            for b in range(B):
                xbuf[b, d, pl.ds(g * LANES, LANES)] = (
                    xbuf[b, d, pl.ds(g * LANES, LANES)] + ape
                )

    fire_in(0, 0)

    def pair_body(p, carry):
        a = 2 * p
        bb = a + 1

        @pl.when(p > 0)
        def _():
            drain_out(1)

        fire_in(bb, 1)
        drain_in(0)
        pass
        fire_out(a, 0)
        drain_in(1)
        pass
        fire_out(bb, 1)

        @pl.when(p < NP - 1)
        def _():
            drain_out(0)
            fire_in(a + 2, 0)

        return carry

    lax.fori_loop(0, NP, pair_body, 0)
    drain_out(0)
    drain_out(1)


def kernel(x, table):
    table_l = table[:L]
    mesh = plsc.VectorSubcoreMesh(core_axis_name="c", subcore_axis_name="s")
    k = functools.partial(
        pl.kernel,
        mesh=mesh,
        compiler_params=pltpu.CompilerParams(
            use_tc_tiling_on_sc=False, needs_layout_passes=False
        ),
        out_type=jax.ShapeDtypeStruct((B, D, L), x.dtype),
        scratch_types=[
            pltpu.VMEM((LCH, DSLAB), jnp.float32),
            pltpu.VMEM((LCH, DSLAB), jnp.float32),
            pltpu.VMEM((B, DSLAB, LCH), jnp.float32),
            pltpu.VMEM((B, DSLAB, LCH), jnp.float32),
            pltpu.SemaphoreType.DMA,
            pltpu.SemaphoreType.DMA,
            pltpu.SemaphoreType.DMA,
            pltpu.SemaphoreType.DMA,
        ],
    )(_sc_body)
    return k(x, table_l)

# --- scband reference (transcript-rebuilt; emitter-appended) ---
"""Pipeline reference for scband-learnable-ape-77635828843061 (READ-ONLY COPY).

The authoritative reference and input builder live on the scoring server;
editing this copy changes nothing except your own understanding.
"""

import jax, jax.numpy as jnp
import numpy as np

D_MODEL = 1024
MAX_LEN = 10000
B, D, L = 4, 1024, 8192

def setup_inputs(seed: int = 0) -> dict:
    key = jax.random.key(seed)
    k1, k2 = jax.random.split(key)
    x = jax.random.normal(k1, (B, D, L), dtype=jnp.float32)
    table = jax.random.normal(k2, (MAX_LEN, D_MODEL), dtype=jnp.float32) * 0.02
    return {"x": x, "table": table}

def reference(x, table):
    # position_ids = arange(L); embedding lookup -> (L, D); transpose -> (D, L)
    L_cur = x.shape[-1]
    position_ids = jnp.arange(L_cur)
    ape = jnp.take(table, position_ids, axis=0)  # (L, D)
    ape = jnp.transpose(ape, (1, 0))             # (D, L)
    return x + ape[None, :, :]

if __name__ == "__main__":
    import jax
    _d = setup_inputs()
    print(jax.jit(kernel)(*tuple(_d.values())))

</pallas_src>

<mosaic_0001>
#map = affine_map<(d0, d1) -> (0, 0, 0)>
#map1 = affine_map<(d0, d1) -> (0, 0)>
module attributes {stable_mosaic.version = 14 : i64} {
  func.func @_sc_body(%arg0: i32, %arg1: i32, %arg2: memref<4x1024x8192xf32, #tpu.memory_space<hbm>>, %arg3: memref<8192x1024xf32, #tpu.memory_space<hbm>>, %arg4: memref<4x1024x8192xf32, #tpu.memory_space<hbm>>, %arg5: memref<512x16xf32, #tpu.memory_space<vmem>>, %arg6: memref<512x16xf32, #tpu.memory_space<vmem>>, %arg7: memref<4x16x512xf32, #tpu.memory_space<vmem>>, %arg8: memref<4x16x512xf32, #tpu.memory_space<vmem>>, %arg9: memref<!tpu.dma_semaphore, #tpu.memory_space<semaphore_mem>>, %arg10: memref<!tpu.dma_semaphore, #tpu.memory_space<semaphore_mem>>, %arg11: memref<!tpu.dma_semaphore, #tpu.memory_space<semaphore_mem>>, %arg12: memref<!tpu.dma_semaphore, #tpu.memory_space<semaphore_mem>>) attributes {dimension_semantics = [#tpu.dimension_semantics<core_parallel>, #tpu.dimension_semantics<subcore_parallel>], iteration_bounds = array<i64: 2, 16>, scalar_prefetch = 0 : i64, scratch_operands = 8 : i64, tpu.core_type = #tpu.core_type<sc_vector_subcore>, window_params = [{transform_indices = #map}, {transform_indices = #map1}, {transform_indices = #map}]} {
    %mul3A = arith.constant 2 : i32
    %mul3A_0 = arith.muli %arg1, %mul3A : i32
    %add3A = arith.addi %mul3A_0, %arg0 : i32
    %mul3A_1 = arith.constant 16 : i32
    %mul3A_2 = arith.muli %add3A, %mul3A_1 : i32
    %iota3A = tpu.iota {dimensions = array<i32: 0>} : vector<16xi32>
    %dma_start3A = arith.constant 0 : i32
    %dma_start3A_3 = tpu.memref_slice %arg3[%dma_start3A, %mul3A_2] : memref<8192x1024xf32, #tpu.memory_space<hbm>> -> memref<512x16xf32, #tpu.memory_space<hbm>>
    %dma_start3A_4 = arith.constant 0 : i32
    %dma_start3A_5 = tpu.memref_slice %arg3[%dma_start3A_4, %mul3A_2] : memref<8192x1024xf32, #tpu.memory_space<hbm>> -> memref<512x16xf32, #tpu.memory_space<hbm>>
    tpu.enqueue_dma source(%dma_start3A_5 : memref<512x16xf32, #tpu.memory_space<hbm>>) target(%arg5 : memref<512x16xf32, #tpu.memory_space<vmem>>) target_semaphore(%arg9 : memref<!tpu.dma_semaphore, #tpu.memory_space<semaphore_mem>>)
    %dma_start3A_6 = arith.constant 0 : i32
    %dma_start3A_7 = arith.constant 0 : i32
    %dma_start3A_8 = arith.constant 0 : i32
    %dma_start3A_9 = arith.constant 0 : i32
    %dma_start3A_10 = tpu.memref_slice %arg7[%dma_start3A_7, %dma_start3A_8, %dma_start3A_9] : memref<4x16x512xf32, #tpu.memory_space<vmem>> -> memref<1x16x512xf32, #tpu.memory_space<vmem>>
    %dma_start3A_11 = tpu.memref_squeeze %dma_start3A_10 : memref<1x16x512xf32, #tpu.memory_space<vmem>> -> memref<16x512xf32, #tpu.memory_space<vmem>>
    %dma_start3A_12 = arith.constant 0 : i32
    %dma_start3A_13 = tpu.memref_slice %arg2[%dma_start3A_6, %mul3A_2, %dma_start3A_12] : memref<4x1024x8192xf32, #tpu.memory_space<hbm>> -> memref<1x16x512xf32, #tpu.memory_space<hbm>>
    %dma_start3A_14 = tpu.memref_squeeze %dma_start3A_13 : memref<1x16x512xf32, #tpu.memory_space<hbm>> -> memref<16x512xf32, #tpu.memory_space<hbm>>
    %dma_start3A_15 = arith.constant 0 : i32
    %dma_start3A_16 = arith.constant 0 : i32
    %dma_start3A_17 = tpu.memref_slice %arg7[%dma_start3A_7, %dma_start3A_15, %dma_start3A_16] : memref<4x16x512xf32, #tpu.memory_space<vmem>> -> memref<1x16x512xf32, #tpu.memory_space<vmem>>
    %dma_start3A_18 = tpu.memref_squeeze %dma_start3A_17 : memref<1x16x512xf32, #tpu.memory_space<vmem>> -> memref<16x512xf32, #tpu.memory_space<vmem>>
    %dma_start3A_19 = arith.constant 0 : i32
    %dma_start3A_20 = tpu.memref_slice %arg2[%dma_start3A_6, %mul3A_2, %dma_start3A_19] : memref<4x1024x8192xf32, #tpu.memory_space<hbm>> -> memref<1x16x512xf32, #tpu.memory_space<hbm>>
    %dma_start3A_21 = tpu.memref_squeeze %dma_start3A_20 : memref<1x16x512xf32, #tpu.memory_space<hbm>> -> memref<16x512xf32, #tpu.memory_space<hbm>>
    tpu.enqueue_dma source(%dma_start3A_21 : memref<16x512xf32, #tpu.memory_space<hbm>>) target(%dma_start3A_18 : memref<16x512xf32, #tpu.memory_space<vmem>>) target_semaphore(%arg9 : memref<!tpu.dma_semaphore, #tpu.memory_space<semaphore_mem>>)
    %dma_start3A_22 = arith.constant 1 : i32
    %dma_start3A_23 = arith.constant 1 : i32
    %dma_start3A_24 = arith.constant 0 : i32
    %dma_start3A_25 = arith.constant 0 : i32
    %dma_start3A_26 = tpu.memref_slice %arg7[%dma_start3A_23, %dma_start3A_24, %dma_start3A_25] : memref<4x16x512xf32, #tpu.memory_space<vmem>> -> memref<1x16x512xf32, #tpu.memory_space<vmem>>
    %dma_start3A_27 = tpu.memref_squeeze %dma_start3A_26 : memref<1x16x512xf32, #tpu.memory_space<vmem>> -> memref<16x512xf32, #tpu.memory_space<vmem>>
    %dma_start3A_28 = arith.constant 0 : i32
    %dma_start3A_29 = tpu.memref_slice %arg2[%dma_start3A_22, %mul3A_2, %dma_start3A_28] : memref<4x1024x8192xf32, #tpu.memory_space<hbm>> -> memref<1x16x512xf32, #tpu.memory_space<hbm>>
    %dma_start3A_30 = tpu.memref_squeeze %dma_start3A_29 : memref<1x16x512xf32, #tpu.memory_space<hbm>> -> memref<16x512xf32, #tpu.memory_space<hbm>>
    %dma_start3A_31 = arith.constant 0 : i32
    %dma_start3A_32 = arith.constant 0 : i32
    %dma_start3A_33 = tpu.memref_slice %arg7[%dma_start3A_23, %dma_start3A_31, %dma_start3A_32] : memref<4x16x512xf32, #tpu.memory_space<vmem>> -> memref<1x16x512xf32, #tpu.memory_space<vmem>>
    %dma_start3A_34 = tpu.memref_squeeze %dma_start3A_33 : memref<1x16x512xf32, #tpu.memory_space<vmem>> -> memref<16x512xf32, #tpu.memory_space<vmem>>
    %dma_start3A_35 = arith.constant 0 : i32
    %dma_start3A_36 = tpu.memref_slice %arg2[%dma_start3A_22, %mul3A_2, %dma_start3A_35] : memref<4x1024x8192xf32, #tpu.memory_space<hbm>> -> memref<1x16x512xf32, #tpu.memory_space<hbm>>
    %dma_start3A_37 = tpu.memref_squeeze %dma_start3A_36 : memref<1x16x512xf32, #tpu.memory_space<hbm>> -> memref<16x512xf32, #tpu.memory_space<hbm>>
    tpu.enqueue_dma source(%dma_start3A_37 : memref<16x512xf32, #tpu.memory_space<hbm>>) target(%dma_start3A_34 : memref<16x512xf32, #tpu.memory_space<vmem>>) target_semaphore(%arg9 : memref<!tpu.dma_semaphore, #tpu.memory_space<semaphore_mem>>)
    %dma_start3A_38 = arith.constant 2 : i32
    %dma_start3A_39 = arith.constant 2 : i32
    %dma_start3A_40 = arith.constant 0 : i32
    %dma_start3A_41 = arith.constant 0 : i32
    %dma_start3A_42 = tpu.memref_slice %arg7[%dma_start3A_39, %dma_start3A_40, %dma_start3A_41] : memref<4x16x512xf32, #tpu.memory_space<vmem>> -> memref<1x16x512xf32, #tpu.memory_space<vmem>>
    %dma_start3A_43 = tpu.memref_squeeze %dma_start3A_42 : memref<1x16x512xf32, #tpu.memory_space<vmem>> -> memref<16x512xf32, #tpu.memory_space<vmem>>
    %dma_start3A_44 = arith.constant 0 : i32
    %dma_start3A_45 = tpu.memref_slice %arg2[%dma_start3A_38, %mul3A_2, %dma_start3A_44] : memref<4x1024x8192xf32, #tpu.memory_space<hbm>> -> memref<1x16x512xf32, #tpu.memory_space<hbm>>
    %dma_start3A_46 = tpu.memref_squeeze %dma_start3A_45 : memref<1x16x512xf32, #tpu.memory_space<hbm>> -> memref<16x512xf32, #tpu.memory_space<hbm>>
    %dma_start3A_47 = arith.constant 0 : i32
    %dma_start3A_48 = arith.constant 0 : i32
    %dma_start3A_49 = tpu.memref_slice %arg7[%dma_start3A_39, %dma_start3A_47, %dma_start3A_48] : memref<4x16x512xf32, #tpu.memory_space<vmem>> -> memref<1x16x512xf32, #tpu.memory_space<vmem>>
    %dma_start3A_50 = tpu.memref_squeeze %dma_start3A_49 : memref<1x16x512xf32, #tpu.memory_space<vmem>> -> memref<16x512xf32, #tpu.memory_space<vmem>>
    %dma_start3A_51 = arith.constant 0 : i32
    %dma_start3A_52 = tpu.memref_slice %arg2[%dma_start3A_38, %mul3A_2, %dma_start3A_51] : memref<4x1024x8192xf32, #tpu.memory_space<hbm>> -> memref<1x16x512xf32, #tpu.memory_space<hbm>>
    %dma_start3A_53 = tpu.memref_squeeze %dma_start3A_52 : memref<1x16x512xf32, #tpu.memory_space<hbm>> -> memref<16x512xf32, #tpu.memory_space<hbm>>
    tpu.enqueue_dma source(%dma_start3A_53 : memref<16x512xf32, #tpu.memory_space<hbm>>) target(%dma_start3A_50 : memref<16x512xf32, #tpu.memory_space<vmem>>) target_semaphore(%arg9 : memref<!tpu.dma_semaphore, #tpu.memory_space<semaphore_mem>>)
    %dma_start3A_54 = arith.constant 3 : i32
    %dma_start3A_55 = arith.constant 3 : i32
    %dma_start3A_56 = arith.constant 0 : i32
    %dma_start3A_57 = arith.constant 0 : i32
    %dma_start3A_58 = tpu.memref_slice %arg7[%dma_start3A_55, %dma_start3A_56, %dma_start3A_57] : memref<4x16x512xf32, #tpu.memory_space<vmem>> -> memref<1x16x512xf32, #tpu.memory_space<vmem>>
    %dma_start3A_59 = tpu.memref_squeeze %dma_start3A_58 : memref<1x16x512xf32, #tpu.memory_space<vmem>> -> memref<16x512xf32, #tpu.memory_space<vmem>>
    %dma_start3A_60 = arith.constant 0 : i32
    %dma_start3A_61 = tpu.memref_slice %arg2[%dma_start3A_54, %mul3A_2, %dma_start3A_60] : memref<4x1024x8192xf32, #tpu.memory_space<hbm>> -> memref<1x16x512xf32, #tpu.memory_space<hbm>>
    %dma_start3A_62 = tpu.memref_squeeze %dma_start3A_61 : memref<1x16x512xf32, #tpu.memory_space<hbm>> -> memref<16x512xf32, #tpu.memory_space<hbm>>
    %dma_start3A_63 = arith.constant 0 : i32
    %dma_start3A_64 = arith.constant 0 : i32
    %dma_start3A_65 = tpu.memref_slice %arg7[%dma_start3A_55, %dma_start3A_63, %dma_start3A_64] : memref<4x16x512xf32, #tpu.memory_space<vmem>> -> memref<1x16x512xf32, #tpu.memory_space<vmem>>
    %dma_start3A_66 = tpu.memref_squeeze %dma_start3A_65 : memref<1x16x512xf32, #tpu.memory_space<vmem>> -> memref<16x512xf32, #tpu.memory_space<vmem>>
    %dma_start3A_67 = arith.constant 0 : i32
    %dma_start3A_68 = tpu.memref_slice %arg2[%dma_start3A_54, %mul3A_2, %dma_start3A_67] : memref<4x1024x8192xf32, #tpu.memory_space<hbm>> -> memref<1x16x512xf32, #tpu.memory_space<hbm>>
    %dma_start3A_69 = tpu.memref_squeeze %dma_start3A_68 : memref<1x16x512xf32, #tpu.memory_space<hbm>> -> memref<16x512xf32, #tpu.memory_space<hbm>>
    tpu.enqueue_dma source(%dma_start3A_69 : memref<16x512xf32, #tpu.memory_space<hbm>>) target(%dma_start3A_66 : memref<16x512xf32, #tpu.memory_space<vmem>>) target_semaphore(%arg9 : memref<!tpu.dma_semaphore, #tpu.memory_space<semaphore_mem>>)
    %scan3A = arith.constant 0 : i32
    %scan3A_70 = arith.constant 0 : i32
    %scan3A_71 = arith.constant 8 : i32
    %scan3A_72 = arith.addi %scan3A_70, %scan3A_71 : i32
    %scan3A_73 = arith.constant 1 : i32
    scf.for %scan3A_202 = %scan3A_70 to %scan3A_72 step %scan3A_73  : i32 {
      %mul3A_203 = arith.constant 2 : i32
      %mul3A_204 = arith.muli %mul3A_203, %scan3A_202 : i32
      %add3A_205 = arith.constant 1 : i32
      %add3A_206 = arith.addi %mul3A_204, %add3A_205 : i32
      %gt3A = arith.constant 0 : i32
      %gt3A_207 = arith.cmpi sgt, %scan3A_202, %gt3A : i32
      %convert_element_type3A = arith.extui %gt3A_207 : i1 to i32
      %cond3A = arith.constant 0 : i32
      %cond3A_208 = arith.cmpi ne, %convert_element_type3A, %cond3A : i32
      scf.if %cond3A_208 {
        %dma_wait3A_525 = arith.constant 0 : i32
        %dma_wait3A_526 = arith.constant 0 : i32
        %dma_wait3A_527 = arith.constant 0 : i32
        %dma_wait3A_528 = arith.constant 0 : i32
        %dma_wait3A_529 = tpu.memref_slice %arg8[%dma_wait3A_525, %dma_wait3A_527, %dma_wait3A_528] : memref<4x16x512xf32, #tpu.memory_space<vmem>> -> memref<1x16x512xf32, #tpu.memory_space<vmem>>
        %dma_wait3A_530 = tpu.memref_squeeze %dma_wait3A_529 : memref<1x16x512xf32, #tpu.memory_space<vmem>> -> memref<16x512xf32, #tpu.memory_space<vmem>>
        %dma_wait3A_531 = arith.constant 0 : i32
        %dma_wait3A_532 = tpu.memref_slice %arg4[%dma_wait3A_526, %mul3A_2, %dma_wait3A_531] : memref<4x1024x8192xf32, #tpu.memory_space<hbm>> -> memref<1x16x512xf32, #tpu.memory_space<hbm>>
        %dma_wait3A_533 = tpu.memref_squeeze %dma_wait3A_532 : memref<1x16x512xf32, #tpu.memory_space<hbm>> -> memref<16x512xf32, #tpu.memory_space<hbm>>
        %dma_wait3A_534 = arith.constant 0 : i32
        %dma_wait3A_535 = tpu.memref_slice %arg4[%dma_wait3A_526, %mul3A_2, %dma_wait3A_534] : memref<4x1024x8192xf32, #tpu.memory_space<hbm>> -> memref<1x16x512xf32, #tpu.memory_space<hbm>>
        %dma_wait3A_536 = tpu.memref_squeeze %dma_wait3A_535 : memref<1x16x512xf32, #tpu.memory_space<hbm>> -> memref<16x512xf32, #tpu.memory_space<hbm>>
        %dma_wait3A_537 = arith.constant 0 : i32
        %dma_wait3A_538 = arith.constant 0 : i32
        %dma_wait3A_539 = tpu.memref_slice %arg8[%dma_wait3A_525, %dma_wait3A_537, %dma_wait3A_538] : memref<4x16x512xf32, #tpu.memory_space<vmem>> -> memref<1x16x512xf32, #tpu.memory_space<vmem>>
        %dma_wait3A_540 = tpu.memref_squeeze %dma_wait3A_539 : memref<1x16x512xf32, #tpu.memory_space<vmem>> -> memref<16x512xf32, #tpu.memory_space<vmem>>
        tpu.wait_dma2 semaphore(%arg12 : memref<!tpu.dma_semaphore, #tpu.memory_space<semaphore_mem>>) src(%dma_wait3A_540 : memref<16x512xf32, #tpu.memory_space<vmem>>) dst(%dma_wait3A_536 : memref<16x512xf32, #tpu.memory_space<hbm>>)
        %dma_wait3A_541 = arith.constant 1 : i32
        %dma_wait3A_542 = arith.constant 1 : i32
        %dma_wait3A_543 = arith.constant 0 : i32
        %dma_wait3A_544 = arith.constant 0 : i32
        %dma_wait3A_545 = tpu.memref_slice %arg8[%dma_wait3A_541, %dma_wait3A_543, %dma_wait3A_544] : memref<4x16x512xf32, #tpu.memory_space<vmem>> -> memref<1x16x512xf32, #tpu.memory_space<vmem>>
        %dma_wait3A_546 = tpu.memref_squeeze %dma_wait3A_545 : memref<1x16x512xf32, #tpu.memory_space<vmem>> -> memref<16x512xf32, #tpu.memory_space<vmem>>
        %dma_wait3A_547 = arith.constant 0 : i32
        %dma_wait3A_548 = tpu.memref_slice %arg4[%dma_wait3A_542, %mul3A_2, %dma_wait3A_547] : memref<4x1024x8192xf32, #tpu.memory_space<hbm>> -> memref<1x16x512xf32, #tpu.memory_space<hbm>>
        %dma_wait3A_549 = tpu.memref_squeeze %dma_wait3A_548 : memref<1x16x512xf32, #tpu.memory_space<hbm>> -> memref<16x512xf32, #tpu.memory_space<hbm>>
        %dma_wait3A_550 = arith.constant 0 : i32
        %dma_wait3A_551 = tpu.memref_slice %arg4[%dma_wait3A_542, %mul3A_2, %dma_wait3A_550] : memref<4x1024x8192xf32, #tpu.memory_space<hbm>> -> memref<1x16x512xf32, #tpu.memory_space<hbm>>
        %dma_wait3A_552 = tpu.memref_squeeze %dma_wait3A_551 : memref<1x16x512xf32, #tpu.memory_space<hbm>> -> memref<16x512xf32, #tpu.memory_space<hbm>>
        %dma_wait3A_553 = arith.constant 0 : i32
        %dma_wait3A_554 = arith.constant 0 : i32
        %dma_wait3A_555 = tpu.memref_slice %arg8[%dma_wait3A_541, %dma_wait3A_553, %dma_wait3A_554] : memref<4x16x512xf32, #tpu.memory_space<vmem>> -> memref<1x16x512xf32, #tpu.memory_space<vmem>>
        %dma_wait3A_556 = tpu.memref_squeeze %dma_wait3A_555 : memref<1x16x512xf32, #tpu.memory_space<vmem>> -> memref<16x512xf32, #tpu.memory_space<vmem>>
        tpu.wait_dma2 semaphore(%arg12 : memref<!tpu.dma_semaphore, #tpu.memory_space<semaphore_mem>>) src(%dma_wait3A_556 : memref<16x512xf32, #tpu.memory_space<vmem>>) dst(%dma_wait3A_552 : memref<16x512xf32, #tpu.memory_space<hbm>>)
        %dma_wait3A_557 = arith.constant 2 : i32
        %dma_wait3A_558 = arith.constant 2 : i32
        %dma_wait3A_559 = arith.constant 0 : i32
        %dma_wait3A_560 = arith.constant 0 : i32
        %dma_wait3A_561 = tpu.memref_slice %arg8[%dma_wait3A_557, %dma_wait3A_559, %dma_wait3A_560] : memref<4x16x512xf32, #tpu.memory_space<vmem>> -> memref<1x16x512xf32, #tpu.memory_space<vmem>>
        %dma_wait3A_562 = tpu.memref_squeeze %dma_wait3A_561 : memref<1x16x512xf32, #tpu.memory_space<vmem>> -> memref<16x512xf32, #tpu.memory_space<vmem>>
        %dma_wait3A_563 = arith.constant 0 : i32
        %dma_wait3A_564 = tpu.memref_slice %arg4[%dma_wait3A_558, %mul3A_2, %dma_wait3A_563] : memref<4x1024x8192xf32, #tpu.memory_space<hbm>> -> memref<1x16x512xf32, #tpu.memory_space<hbm>>
        %dma_wait3A_565 = tpu.memref_squeeze %dma_wait3A_564 : memref<1x16x512xf32, #tpu.memory_space<hbm>> -> memref<16x512xf32, #tpu.memory_space<hbm>>
        %dma_wait3A_566 = arith.constant 0 : i32
        %dma_wait3A_567 = tpu.memref_slice %arg4[%dma_wait3A_558, %mul3A_2, %dma_wait3A_566] : memref<4x1024x8192xf32, #tpu.memory_space<hbm>> -> memref<1x16x512xf32, #tpu.memory_space<hbm>>
        %dma_wait3A_568 = tpu.memref_squeeze %dma_wait3A_567 : memref<1x16x512xf32, #tpu.memory_space<hbm>> -> memref<16x512xf32, #tpu.memory_space<hbm>>
        %dma_wait3A_569 = arith.constant 0 : i32
        %dma_wait3A_570 = arith.constant 0 : i32
        %dma_wait3A_571 = tpu.memref_slice %arg8[%dma_wait3A_557, %dma_wait3A_569, %dma_wait3A_570] : memref<4x16x512xf32, #tpu.memory_space<vmem>> -> memref<1x16x512xf32, #tpu.memory_space<vmem>>
        %dma_wait3A_572 = tpu.memref_squeeze %dma_wait3A_571 : memref<1x16x512xf32, #tpu.memory_space<vmem>> -> memref<16x512xf32, #tpu.memory_space<vmem>>
        tpu.wait_dma2 semaphore(%arg12 : memref<!tpu.dma_semaphore, #tpu.memory_space<semaphore_mem>>) src(%dma_wait3A_572 : memref<16x512xf32, #tpu.memory_space<vmem>>) dst(%dma_wait3A_568 : memref<16x512xf32, #tpu.memory_space<hbm>>)
        %dma_wait3A_573 = arith.constant 3 : i32
        %dma_wait3A_574 = arith.constant 3 : i32
        %dma_wait3A_575 = arith.constant 0 : i32
        %dma_wait3A_576 = arith.constant 0 : i32
        %dma_wait3A_577 = tpu.memref_slice %arg8[%dma_wait3A_573, %dma_wait3A_575, %dma_wait3A_576] : memref<4x16x512xf32, #tpu.memory_space<vmem>> -> memref<1x16x512xf32, #tpu.memory_space<vmem>>
        %dma_wait3A_578 = tpu.memref_squeeze %dma_wait3A_577 : memref<1x16x512xf32, #tpu.memory_space<vmem>> -> memref<16x512xf32, #tpu.memory_space<vmem>>
        %dma_wait3A_579 = arith.constant 0 : i32
        %dma_wait3A_580 = tpu.memref_slice %arg4[%dma_wait3A_574, %mul3A_2, %dma_wait3A_579] : memref<4x1024x8192xf32, #tpu.memory_space<hbm>> -> memref<1x16x512xf32, #tpu.memory_space<hbm>>
        %dma_wait3A_581 = tpu.memref_squeeze %dma_wait3A_580 : memref<1x16x512xf32, #tpu.memory_space<hbm>> -> memref<16x512xf32, #tpu.memory_space<hbm>>
        %dma_wait3A_582 = arith.constant 0 : i32
        %dma_wait3A_583 = tpu.memref_slice %arg4[%dma_wait3A_574, %mul3A_2, %dma_wait3A_582] : memref<4x1024x8192xf32, #tpu.memory_space<hbm>> -> memref<1x16x512xf32, #tpu.memory_space<hbm>>
        %dma_wait3A_584 = tpu.memref_squeeze %dma_wait3A_583 : memref<1x16x512xf32, #tpu.memory_space<hbm>> -> memref<16x512xf32, #tpu.memory_space<hbm>>
        %dma_wait3A_585 = arith.constant 0 : i32
        %dma_wait3A_586 = arith.constant 0 : i32
        %dma_wait3A_587 = tpu.memref_slice %arg8[%dma_wait3A_573, %dma_wait3A_585, %dma_wait3A_586] : memref<4x16x512xf32, #tpu.memory_space<vmem>> -> memref<1x16x512xf32, #tpu.memory_space<vmem>>
        %dma_wait3A_588 = tpu.memref_squeeze %dma_wait3A_587 : memref<1x16x512xf32, #tpu.memory_space<vmem>> -> memref<16x512xf32, #tpu.memory_space<vmem>>
        tpu.wait_dma2 semaphore(%arg12 : memref<!tpu.dma_semaphore, #tpu.memory_space<semaphore_mem>>) src(%dma_wait3A_588 : memref<16x512xf32, #tpu.memory_space<vmem>>) dst(%dma_wait3A_584 : memref<16x512xf32, #tpu.memory_space<hbm>>)
      } else {
      }
      %mul3A_209 = arith.constant 512 : i32
      %mul3A_210 = arith.muli %add3A_206, %mul3A_209 : i32
      %dma_start3A_211 = tpu.memref_slice %arg3[%mul3A_210, %mul3A_2] : memref<8192x1024xf32, #tpu.memory_space<hbm>> -> memref<512x16xf32, #tpu.memory_space<hbm>>
      %dma_start3A_212 = tpu.memref_slice %arg3[%mul3A_210, %mul3A_2] : memref<8192x1024xf32, #tpu.memory_space<hbm>> -> memref<512x16xf32, #tpu.memory_space<hbm>>
      tpu.enqueue_dma source(%dma_start3A_212 : memref<512x16xf32, #tpu.memory_space<hbm>>) target(%arg6 : memref<512x16xf32, #tpu.memory_space<vmem>>) target_semaphore(%arg10 : memref<!tpu.dma_semaphore, #tpu.memory_space<semaphore_mem>>)
      %dma_start3A_213 = arith.constant 0 : i32
      %dma_start3A_214 = arith.constant 0 : i32
      %dma_start3A_215 = arith.constant 0 : i32
      %dma_start3A_216 = arith.constant 0 : i32
      %dma_start3A_217 = tpu.memref_slice %arg8[%dma_start3A_214, %dma_start3A_215, %dma_start3A_216] : memref<4x16x512xf32, #tpu.memory_space<vmem>> -> memref<1x16x512xf32, #tpu.memory_space<vmem>>
      %dma_start3A_218 = tpu.memref_squeeze %dma_start3A_217 : memref<1x16x512xf32, #tpu.memory_space<vmem>> -> memref<16x512xf32, #tpu.memory_space<vmem>>
      %dma_start3A_219 = tpu.memref_slice %arg2[%dma_start3A_213, %mul3A_2, %mul3A_210] : memref<4x1024x8192xf32, #tpu.memory_space<hbm>> -> memref<1x16x512xf32, #tpu.memory_space<hbm>>
      %dma_start3A_220 = tpu.memref_squeeze %dma_start3A_219 : memref<1x16x512xf32, #tpu.memory_space<hbm>> -> memref<16x512xf32, #tpu.memory_space<hbm>>
      %dma_start3A_221 = arith.constant 0 : i32
      %dma_start3A_222 = arith.constant 0 : i32
      %dma_start3A_223 = tpu.memref_slice %arg8[%dma_start3A_214, %dma_start3A_221, %dma_start3A_222] : memref<4x16x512xf32, #tpu.memory_space<vmem>> -> memref<1x16x512xf32, #tpu.memory_space<vmem>>
      %dma_start3A_224 = tpu.memref_squeeze %dma_start3A_223 : memref<1x16x512xf32, #tpu.memory_space<vmem>> -> memref<16x512xf32, #tpu.memory_space<vmem>>
      %dma_start3A_225 = tpu.memref_slice %arg2[%dma_start3A_213, %mul3A_2, %mul3A_210] : memref<4x1024x8192xf32, #tpu.memory_space<hbm>> -> memref<1x16x512xf32, #tpu.memory_space<hbm>>
      %dma_start3A_226 = tpu.memref_squeeze %dma_start3A_225 : memref<1x16x512xf32, #tpu.memory_space<hbm>> -> memref<16x512xf32, #tpu.memory_space<hbm>>
      tpu.enqueue_dma source(%dma_start3A_226 : memref<16x512xf32, #tpu.memory_space<hbm>>) target(%dma_start3A_224 : memref<16x512xf32, #tpu.memory_space<vmem>>) target_semaphore(%arg10 : memref<!tpu.dma_semaphore, #tpu.memory_space<semaphore_mem>>)
      %dma_start3A_227 = arith.constant 1 : i32
      %dma_start3A_228 = arith.constant 1 : i32
      %dma_start3A_229 = arith.constant 0 : i32
      %dma_start3A_230 = arith.constant 0 : i32
      %dma_start3A_231 = tpu.memref_slice %arg8[%dma_start3A_228, %dma_start3A_229, %dma_start3A_230] : memref<4x16x512xf32, #tpu.memory_space<vmem>> -> memref<1x16x512xf32, #tpu.memory_space<vmem>>
      %dma_start3A_232 = tpu.memref_squeeze %dma_start3A_231 : memref<1x16x512xf32, #tpu.memory_space<vmem>> -> memref<16x512xf32, #tpu.memory_space<vmem>>
      %dma_start3A_233 = tpu.memref_slice %arg2[%dma_start3A_227, %mul3A_2, %mul3A_210] : memref<4x1024x8192xf32, #tpu.memory_space<hbm>> -> memref<1x16x512xf32, #tpu.memory_space<hbm>>
      %dma_start3A_234 = tpu.memref_squeeze %dma_start3A_233 : memref<1x16x512xf32, #tpu.memory_space<hbm>> -> memref<16x512xf32, #tpu.memory_space<hbm>>
      %dma_start3A_235 = arith.constant 0 : i32
      %dma_start3A_236 = arith.constant 0 : i32
      %dma_start3A_237 = tpu.memref_slice %arg8[%dma_start3A_228, %dma_start3A_235, %dma_start3A_236] : memref<4x16x512xf32, #tpu.memory_space<vmem>> -> memref<1x16x512xf32, #tpu.memory_space<vmem>>
      %dma_start3A_238 = tpu.memref_squeeze %dma_start3A_237 : memref<1x16x512xf32, #tpu.memory_space<vmem>> -> memref<16x512xf32, #tpu.memory_space<vmem>>
      %dma_start3A_239 = tpu.memref_slice %arg2[%dma_start3A_227, %mul3A_2, %mul3A_210] : memref<4x1024x8192xf32, #tpu.memory_space<hbm>> -> memref<1x16x512xf32, #tpu.memory_space<hbm>>
      %dma_start3A_240 = tpu.memref_squeeze %dma_start3A_239 : memref<1x16x512xf32, #tpu.memory_space<hbm>> -> memref<16x512xf32, #tpu.memory_space<hbm>>
      tpu.enqueue_dma source(%dma_start3A_240 : memref<16x512xf32, #tpu.memory_space<hbm>>) target(%dma_start3A_238 : memref<16x512xf32, #tpu.memory_space<vmem>>) target_semaphore(%arg10 : memref<!tpu.dma_semaphore, #tpu.memory_space<semaphore_mem>>)
      %dma_start3A_241 = arith.constant 2 : i32
      %dma_start3A_242 = arith.constant 2 : i32
      %dma_start3A_243 = arith.constant 0 : i32
      %dma_start3A_244 = arith.constant 0 : i32
      %dma_start3A_245 = tpu.memref_slice %arg8[%dma_start3A_242, %dma_start3A_243, %dma_start3A_244] : memref<4x16x512xf32, #tpu.memory_space<vmem>> -> memref<1x16x512xf32, #tpu.memory_space<vmem>>
      %dma_start3A_246 = tpu.memref_squeeze %dma_start3A_245 : memref<1x16x512xf32, #tpu.memory_space<vmem>> -> memref<16x512xf32, #tpu.memory_space<vmem>>
      %dma_start3A_247 = tpu.memref_slice %arg2[%dma_start3A_241, %mul3A_2, %mul3A_210] : memref<4x1024x8192xf32, #tpu.memory_space<hbm>> -> memref<1x16x512xf32, #tpu.memory_space<hbm>>
      %dma_start3A_248 = tpu.memref_squeeze %dma_start3A_247 : memref<1x16x512xf32, #tpu.memory_space<hbm>> -> memref<16x512xf32, #tpu.memory_space<hbm>>
      %dma_start3A_249 = arith.constant 0 : i32
      %dma_start3A_250 = arith.constant 0 : i32
      %dma_start3A_251 = tpu.memref_slice %arg8[%dma_start3A_242, %dma_start3A_249, %dma_start3A_250] : memref<4x16x512xf32, #tpu.memory_space<vmem>> -> memref<1x16x512xf32, #tpu.memory_space<vmem>>
      %dma_start3A_252 = tpu.memref_squeeze %dma_start3A_251 : memref<1x16x512xf32, #tpu.memory_space<vmem>> -> memref<16x512xf32, #tpu.memory_space<vmem>>
      %dma_start3A_253 = tpu.memref_slice %arg2[%dma_start3A_241, %mul3A_2, %mul3A_210] : memref<4x1024x8192xf32, #tpu.memory_space<hbm>> -> memref<1x16x512xf32, #tpu.memory_space<hbm>>
      %dma_start3A_254 = tpu.memref_squeeze %dma_start3A_253 : memref<1x16x512xf32, #tpu.memory_space<hbm>> -> memref<16x512xf32, #tpu.memory_space<hbm>>
      tpu.enqueue_dma source(%dma_start3A_254 : memref<16x512xf32, #tpu.memory_space<hbm>>) target(%dma_start3A_252 : memref<16x512xf32, #tpu.memory_space<vmem>>) target_semaphore(%arg10 : memref<!tpu.dma_semaphore, #tpu.memory_space<semaphore_mem>>)
      %dma_start3A_255 = arith.constant 3 : i32
      %dma_start3A_256 = arith.constant 3 : i32
      %dma_start3A_257 = arith.constant 0 : i32
      %dma_start3A_258 = arith.constant 0 : i32
      %dma_start3A_259 = tpu.memref_slice %arg8[%dma_start3A_256, %dma_start3A_257, %dma_start3A_258] : memref<4x16x512xf32, #tpu.memory_space<vmem>> -> memref<1x16x512xf32, #tpu.memory_space<vmem>>
      %dma_start3A_260 = tpu.memref_squeeze %dma_start3A_259 : memref<1x16x512xf32, #tpu.memory_space<vmem>> -> memref<16x512xf32, #tpu.memory_space<vmem>>
      %dma_start3A_261 = tpu.memref_slice %arg2[%dma_start3A_255, %mul3A_2, %mul3A_210] : memref<4x1024x8192xf32, #tpu.memory_space<hbm>> -> memref<1x16x512xf32, #tpu.memory_space<hbm>>
      %dma_start3A_262 = tpu.memref_squeeze %dma_start3A_261 : memref<1x16x512xf32, #tpu.memory_space<hbm>> -> memref<16x512xf32, #tpu.memory_space<hbm>>
      %dma_start3A_263 = arith.constant 0 : i32
      %dma_start3A_264 = arith.constant 0 : i32
      %dma_start3A_265 = tpu.memref_slice %arg8[%dma_start3A_256, %dma_start3A_263, %dma_start3A_264] : memref<4x16x512xf32, #tpu.memory_space<vmem>> -> memref<1x16x512xf32, #tpu.memory_space<vmem>>
      %dma_start3A_266 = tpu.memref_squeeze %dma_start3A_265 : memref<1x16x512xf32, #tpu.memory_space<vmem>> -> memref<16x512xf32, #tpu.memory_space<vmem>>
      %dma_start3A_267 = tpu.memref_slice %arg2[%dma_start3A_255, %mul3A_2, %mul3A_210] : memref<4x1024x8192xf32, #tpu.memory_space<hbm>> -> memref<1x16x512xf32, #tpu.memory_space<hbm>>
      %dma_start3A_268 = tpu.memref_squeeze %dma_start3A_267 : memref<1x16x512xf32, #tpu.memory_space<hbm>> -> memref<16x512xf32, #tpu.memory_space<hbm>>
      tpu.enqueue_dma source(%dma_start3A_268 : memref<16x512xf32, #tpu.memory_space<hbm>>) target(%dma_start3A_266 : memref<16x512xf32, #tpu.memory_space<vmem>>) target_semaphore(%arg10 : memref<!tpu.dma_semaphore, #tpu.memory_space<semaphore_mem>>)
      %dma_wait3A_269 = arith.constant 0 : i32
      %dma_wait3A_270 = tpu.memref_slice %arg3[%dma_wait3A_269, %mul3A_2] : memref<8192x1024xf32, #tpu.memory_space<hbm>> -> memref<512x16xf32, #tpu.memory_space<hbm>>
      %dma_wait3A_271 = arith.constant 0 : i32
      %dma_wait3A_272 = tpu.memref_slice %arg3[%dma_wait3A_271, %mul3A_2] : memref<8192x1024xf32, #tpu.memory_space<hbm>> -> memref<512x16xf32, #tpu.memory_space<hbm>>
      tpu.wait_dma2 semaphore(%arg9 : memref<!tpu.dma_semaphore, #tpu.memory_space<semaphore_mem>>) src(%dma_wait3A_272 : memref<512x16xf32, #tpu.memory_space<hbm>>) dst(%arg5 : memref<512x16xf32, #tpu.memory_space<vmem>>)
      %dma_wait3A_273 = arith.constant 0 : i32
      %dma_wait3A_274 = arith.constant 0 : i32
      %dma_wait3A_275 = arith.constant 0 : i32
      %dma_wait3A_276 = arith.constant 0 : i32
      %dma_wait3A_277 = tpu.memref_slice %arg7[%dma_wait3A_274, %dma_wait3A_275, %dma_wait3A_276] : memref<4x16x512xf32, #tpu.memory_space<vmem>> -> memref<1x16x512xf32, #tpu.memory_space<vmem>>
      %dma_wait3A_278 = tpu.memref_squeeze %dma_wait3A_277 : memref<1x16x512xf32, #tpu.memory_space<vmem>> -> memref<16x512xf32, #tpu.memory_space<vmem>>
      %dma_wait3A_279 = arith.constant 0 : i32
      %dma_wait3A_280 = tpu.memref_slice %arg2[%dma_wait3A_273, %mul3A_2, %dma_wait3A_279] : memref<4x1024x8192xf32, #tpu.memory_space<hbm>> -> memref<1x16x512xf32, #tpu.memory_space<hbm>>
      %dma_wait3A_281 = tpu.memref_squeeze %dma_wait3A_280 : memref<1x16x512xf32, #tpu.memory_space<hbm>> -> memref<16x512xf32, #tpu.memory_space<hbm>>
      %dma_wait3A_282 = arith.constant 0 : i32
      %dma_wait3A_283 = arith.constant 0 : i32
      %dma_wait3A_284 = tpu.memref_slice %arg7[%dma_wait3A_274, %dma_wait3A_282, %dma_wait3A_283] : memref<4x16x512xf32, #tpu.memory_space<vmem>> -> memref<1x16x512xf32, #tpu.memory_space<vmem>>
      %dma_wait3A_285 = tpu.memref_squeeze %dma_wait3A_284 : memref<1x16x512xf32, #tpu.memory_space<vmem>> -> memref<16x512xf32, #tpu.memory_space<vmem>>
      %dma_wait3A_286 = arith.constant 0 : i32
      %dma_wait3A_287 = tpu.memref_slice %arg2[%dma_wait3A_273, %mul3A_2, %dma_wait3A_286] : memref<4x1024x8192xf32, #tpu.memory_space<hbm>> -> memref<1x16x512xf32, #tpu.memory_space<hbm>>
      %dma_wait3A_288 = tpu.memref_squeeze %dma_wait3A_287 : memref<1x16x512xf32, #tpu.memory_space<hbm>> -> memref<16x512xf32, #tpu.memory_space<hbm>>
      tpu.wait_dma2 semaphore(%arg9 : memref<!tpu.dma_semaphore, #tpu.memory_space<semaphore_mem>>) src(%dma_wait3A_288 : memref<16x512xf32, #tpu.memory_space<hbm>>) dst(%dma_wait3A_285 : memref<16x512xf32, #tpu.memory_space<vmem>>)
      %dma_wait3A_289 = arith.constant 1 : i32
      %dma_wait3A_290 = arith.constant 1 : i32
      %dma_wait3A_291 = arith.constant 0 : i32
      %dma_wait3A_292 = arith.constant 0 : i32
      %dma_wait3A_293 = tpu.memref_slice %arg7[%dma_wait3A_290, %dma_wait3A_291, %dma_wait3A_292] : memref<4x16x512xf32, #tpu.memory_space<vmem>> -> memref<1x16x512xf32, #tpu.memory_space<vmem>>
      %dma_wait3A_294 = tpu.memref_squeeze %dma_wait3A_293 : memref<1x16x512xf32, #tpu.memory_space<vmem>> -> memref<16x512xf32, #tpu.memory_space<vmem>>
      %dma_wait3A_295 = arith.constant 0 : i32
      %dma_wait3A_296 = tpu.memref_slice %arg2[%dma_wait3A_289, %mul3A_2, %dma_wait3A_295] : memref<4x1024x8192xf32, #tpu.memory_space<hbm>> -> memref<1x16x512xf32, #tpu.memory_space<hbm>>
      %dma_wait3A_297 = tpu.memref_squeeze %dma_wait3A_296 : memref<1x16x512xf32, #tpu.memory_space<hbm>> -> memref<16x512xf32, #tpu.memory_space<hbm>>
      %dma_wait3A_298 = arith.constant 0 : i32
      %dma_wait3A_299 = arith.constant 0 : i32
      %dma_wait3A_300 = tpu.memref_slice %arg7[%dma_wait3A_290, %dma_wait3A_298, %dma_wait3A_299] : memref<4x16x512xf32, #tpu.memory_space<vmem>> -> memref<1x16x512xf32, #tpu.memory_space<vmem>>
      %dma_wait3A_301 = tpu.memref_squeeze %dma_wait3A_300 : memref<1x16x512xf32, #tpu.memory_space<vmem>> -> memref<16x512xf32, #tpu.memory_space<vmem>>
      %dma_wait3A_302 = arith.constant 0 : i32
      %dma_wait3A_303 = tpu.memref_slice %arg2[%dma_wait3A_289, %mul3A_2, %dma_wait3A_302] : memref<4x1024x8192xf32, #tpu.memory_space<hbm>> -> memref<1x16x512xf32, #tpu.memory_space<hbm>>
      %dma_wait3A_304 = tpu.memref_squeeze %dma_wait3A_303 : memref<1x16x512xf32, #tpu.memory_space<hbm>> -> memref<16x512xf32, #tpu.memory_space<hbm>>
      tpu.wait_dma2 semaphore(%arg9 : memref<!tpu.dma_semaphore, #tpu.memory_space<semaphore_mem>>) src(%dma_wait3A_304 : memref<16x512xf32, #tpu.memory_space<hbm>>) dst(%dma_wait3A_301 : memref<16x512xf32, #tpu.memory_space<vmem>>)
      %dma_wait3A_305 = arith.constant 2 : i32
      %dma_wait3A_306 = arith.constant 2 : i32
      %dma_wait3A_307 = arith.constant 0 : i32
      %dma_wait3A_308 = arith.constant 0 : i32
      %dma_wait3A_309 = tpu.memref_slice %arg7[%dma_wait3A_306, %dma_wait3A_307, %dma_wait3A_308] : memref<4x16x512xf32, #tpu.memory_space<vmem>> -> memref<1x16x512xf32, #tpu.memory_space<vmem>>
      %dma_wait3A_310 = tpu.memref_squeeze %dma_wait3A_309 : memref<1x16x512xf32, #tpu.memory_space<vmem>> -> memref<16x512xf32, #tpu.memory_space<vmem>>
      %dma_wait3A_311 = arith.constant 0 : i32
      %dma_wait3A_312 = tpu.memref_slice %arg2[%dma_wait3A_305, %mul3A_2, %dma_wait3A_311] : memref<4x1024x8192xf32, #tpu.memory_space<hbm>> -> memref<1x16x512xf32, #tpu.memory_space<hbm>>
      %dma_wait3A_313 = tpu.memref_squeeze %dma_wait3A_312 : memref<1x16x512xf32, #tpu.memory_space<hbm>> -> memref<16x512xf32, #tpu.memory_space<hbm>>
      %dma_wait3A_314 = arith.constant 0 : i32
      %dma_wait3A_315 = arith.constant 0 : i32
      %dma_wait3A_316 = tpu.memref_slice %arg7[%dma_wait3A_306, %dma_wait3A_314, %dma_wait3A_315] : memref<4x16x512xf32, #tpu.memory_space<vmem>> -> memref<1x16x512xf32, #tpu.memory_space<vmem>>
      %dma_wait3A_317 = tpu.memref_squeeze %dma_wait3A_316 : memref<1x16x512xf32, #tpu.memory_space<vmem>> -> memref<16x512xf32, #tpu.memory_space<vmem>>
      %dma_wait3A_318 = arith.constant 0 : i32
      %dma_wait3A_319 = tpu.memref_slice %arg2[%dma_wait3A_305, %mul3A_2, %dma_wait3A_318] : memref<4x1024x8192xf32, #tpu.memory_space<hbm>> -> memref<1x16x512xf32, #tpu.memory_space<hbm>>
      %dma_wait3A_320 = tpu.memref_squeeze %dma_wait3A_319 : memref<1x16x512xf32, #tpu.memory_space<hbm>> -> memref<16x512xf32, #tpu.memory_space<hbm>>
      tpu.wait_dma2 semaphore(%arg9 : memref<!tpu.dma_semaphore, #tpu.memory_space<semaphore_mem>>) src(%dma_wait3A_320 : memref<16x512xf32, #tpu.memory_space<hbm>>) dst(%dma_wait3A_317 : memref<16x512xf32, #tpu.memory_space<vmem>>)
      %dma_wait3A_321 = arith.constant 3 : i32
      %dma_wait3A_322 = arith.constant 3 : i32
      %dma_wait3A_323 = arith.constant 0 : i32
      %dma_wait3A_324 = arith.constant 0 : i32
      %dma_wait3A_325 = tpu.memref_slice %arg7[%dma_wait3A_322, %dma_wait3A_323, %dma_wait3A_324] : memref<4x16x512xf32, #tpu.memory_space<vmem>> -> memref<1x16x512xf32, #tpu.memory_space<vmem>>
      %dma_wait3A_326 = tpu.memref_squeeze %dma_wait3A_325 : memref<1x16x512xf32, #tpu.memory_space<vmem>> -> memref<16x512xf32, #tpu.memory_space<vmem>>
      %dma_wait3A_327 = arith.constant 0 : i32
      %dma_wait3A_328 = tpu.memref_slice %arg2[%dma_wait3A_321, %mul3A_2, %dma_wait3A_327] : memref<4x1024x8192xf32, #tpu.memory_space<hbm>> -> memref<1x16x512xf32, #tpu.memory_space<hbm>>
      %dma_wait3A_329 = tpu.memref_squeeze %dma_wait3A_328 : memref<1x16x512xf32, #tpu.memory_space<hbm>> -> memref<16x512xf32, #tpu.memory_space<hbm>>
      %dma_wait3A_330 = arith.constant 0 : i32
      %dma_wait3A_331 = arith.constant 0 : i32
      %dma_wait3A_332 = tpu.memref_slice %arg7[%dma_wait3A_322, %dma_wait3A_330, %dma_wait3A_331] : memref<4x16x512xf32, #tpu.memory_space<vmem>> -> memref<1x16x512xf32, #tpu.memory_space<vmem>>
      %dma_wait3A_333 = tpu.memref_squeeze %dma_wait3A_332 : memref<1x16x512xf32, #tpu.memory_space<vmem>> -> memref<16x512xf32, #tpu.memory_space<vmem>>
      %dma_wait3A_334 = arith.constant 0 : i32
      %dma_wait3A_335 = tpu.memref_slice %arg2[%dma_wait3A_321, %mul3A_2, %dma_wait3A_334] : memref<4x1024x8192xf32, #tpu.memory_space<hbm>> -> memref<1x16x512xf32, #tpu.memory_space<hbm>>
      %dma_wait3A_336 = tpu.memref_squeeze %dma_wait3A_335 : memref<1x16x512xf32, #tpu.memory_space<hbm>> -> memref<16x512xf32, #tpu.memory_space<hbm>>
      tpu.wait_dma2 semaphore(%arg9 : memref<!tpu.dma_semaphore, #tpu.memory_space<semaphore_mem>>) src(%dma_wait3A_336 : memref<16x512xf32, #tpu.memory_space<hbm>>) dst(%dma_wait3A_333 : memref<16x512xf32, #tpu.memory_space<vmem>>)
      %mul3A_337 = arith.constant 512 : i32
      %mul3A_338 = arith.muli %mul3A_204, %mul3A_337 : i32
      %dma_start3A_339 = arith.constant 0 : i32
      %dma_start3A_340 = arith.constant 0 : i32
      %dma_start3A_341 = arith.constant 0 : i32
      %dma_start3A_342 = arith.constant 0 : i32
      %dma_start3A_343 = tpu.memref_slice %arg7[%dma_start3A_339, %dma_start3A_341, %dma_start3A_342] : memref<4x16x512xf32, #tpu.memory_space<vmem>> -> memref<1x16x512xf32, #tpu.memory_space<vmem>>
      %dma_start3A_344 = tpu.memref_squeeze %dma_start3A_343 : memref<1x16x512xf32, #tpu.memory_space<vmem>> -> memref<16x512xf32, #tpu.memory_space<vmem>>
      %dma_start3A_345 = tpu.memref_slice %arg4[%dma_start3A_340, %mul3A_2, %mul3A_338] : memref<4x1024x8192xf32, #tpu.memory_space<hbm>> -> memref<1x16x512xf32, #tpu.memory_space<hbm>>
      %dma_start3A_346 = tpu.memref_squeeze %dma_start3A_345 : memref<1x16x512xf32, #tpu.memory_space<hbm>> -> memref<16x512xf32, #tpu.memory_space<hbm>>
      %dma_start3A_347 = tpu.memref_slice %arg4[%dma_start3A_340, %mul3A_2, %mul3A_338] : memref<4x1024x8192xf32, #tpu.memory_space<hbm>> -> memref<1x16x512xf32, #tpu.memory_space<hbm>>
      %dma_start3A_348 = tpu.memref_squeeze %dma_start3A_347 : memref<1x16x512xf32, #tpu.memory_space<hbm>> -> memref<16x512xf32, #tpu.memory_space<hbm>>
      %dma_start3A_349 = arith.constant 0 : i32
      %dma_start3A_350 = arith.constant 0 : i32
      %dma_start3A_351 = tpu.memref_slice %arg7[%dma_start3A_339, %dma_start3A_349, %dma_start3A_350] : memref<4x16x512xf32, #tpu.memory_space<vmem>> -> memref<1x16x512xf32, #tpu.memory_space<vmem>>
      %dma_start3A_352 = tpu.memref_squeeze %dma_start3A_351 : memref<1x16x512xf32, #tpu.memory_space<vmem>> -> memref<16x512xf32, #tpu.memory_space<vmem>>
      tpu.enqueue_dma source(%dma_start3A_352 : memref<16x512xf32, #tpu.memory_space<vmem>>) target(%dma_start3A_348 : memref<16x512xf32, #tpu.memory_space<hbm>>) target_semaphore(%arg11 : memref<!tpu.dma_semaphore, #tpu.memory_space<semaphore_mem>>)
      %dma_start3A_353 = arith.constant 1 : i32
      %dma_start3A_354 = arith.constant 1 : i32
      %dma_start3A_355 = arith.constant 0 : i32
      %dma_start3A_356 = arith.constant 0 : i32
      %dma_start3A_357 = tpu.memref_slice %arg7[%dma_start3A_353, %dma_start3A_355, %dma_start3A_356] : memref<4x16x512xf32, #tpu.memory_space<vmem>> -> memref<1x16x512xf32, #tpu.memory_space<vmem>>
      %dma_start3A_358 = tpu.memref_squeeze %dma_start3A_357 : memref<1x16x512xf32, #tpu.memory_space<vmem>> -> memref<16x512xf32, #tpu.memory_space<vmem>>
      %dma_start3A_359 = tpu.memref_slice %arg4[%dma_start3A_354, %mul3A_2, %mul3A_338] : memref<4x1024x8192xf32, #tpu.memory_space<hbm>> -> memref<1x16x512xf32, #tpu.memory_space<hbm>>
      %dma_start3A_360 = tpu.memref_squeeze %dma_start3A_359 : memref<1x16x512xf32, #tpu.memory_space<hbm>> -> memref<16x512xf32, #tpu.memory_space<hbm>>
      %dma_start3A_361 = tpu.memref_slice %arg4[%dma_start3A_354, %mul3A_2, %mul3A_338] : memref<4x1024x8192xf32, #tpu.memory_space<hbm>> -> memref<1x16x512xf32, #tpu.memory_space<hbm>>
      %dma_start3A_362 = tpu.memref_squeeze %dma_start3A_361 : memref<1x16x512xf32, #tpu.memory_space<hbm>> -> memref<16x512xf32, #tpu.memory_space<hbm>>
      %dma_start3A_363 = arith.constant 0 : i32
      %dma_start3A_364 = arith.constant 0 : i32
      %dma_start3A_365 = tpu.memref_slice %arg7[%dma_start3A_353, %dma_start3A_363, %dma_start3A_364] : memref<4x16x512xf32, #tpu.memory_space<vmem>> -> memref<1x16x512xf32, #tpu.memory_space<vmem>>
      %dma_start3A_366 = tpu.memref_squeeze %dma_start3A_365 : memref<1x16x512xf32, #tpu.memory_space<vmem>> -> memref<16x512xf32, #tpu.memory_space<vmem>>
      tpu.enqueue_dma source(%dma_start3A_366 : memref<16x512xf32, #tpu.memory_space<vmem>>) target(%dma_start3A_362 : memref<16x512xf32, #tpu.memory_space<hbm>>) target_semaphore(%arg11 : memref<!tpu.dma_semaphore, #tpu.memory_space<semaphore_mem>>)
      %dma_start3A_367 = arith.constant 2 : i32
      %dma_start3A_368 = arith.constant 2 : i32
      %dma_start3A_369 = arith.constant 0 : i32
      %dma_start3A_370 = arith.constant 0 : i32
      %dma_start3A_371 = tpu.memref_slice %arg7[%dma_start3A_367, %dma_start3A_369, %dma_start3A_370] : memref<4x16x512xf32, #tpu.memory_space<vmem>> -> memref<1x16x512xf32, #tpu.memory_space<vmem>>
      %dma_start3A_372 = tpu.memref_squeeze %dma_start3A_371 : memref<1x16x512xf32, #tpu.memory_space<vmem>> -> memref<16x512xf32, #tpu.memory_space<vmem>>
      %dma_start3A_373 = tpu.memref_slice %arg4[%dma_start3A_368, %mul3A_2, %mul3A_338] : memref<4x1024x8192xf32, #tpu.memory_space<hbm>> -> memref<1x16x512xf32, #tpu.memory_space<hbm>>
      %dma_start3A_374 = tpu.memref_squeeze %dma_start3A_373 : memref<1x16x512xf32, #tpu.memory_space<hbm>> -> memref<16x512xf32, #tpu.memory_space<hbm>>
      %dma_start3A_375 = tpu.memref_slice %arg4[%dma_start3A_368, %mul3A_2, %mul3A_338] : memref<4x1024x8192xf32, #tpu.memory_space<hbm>> -> memref<1x16x512xf32, #tpu.memory_space<hbm>>
      %dma_start3A_376 = tpu.memref_squeeze %dma_start3A_375 : memref<1x16x512xf32, #tpu.memory_space<hbm>> -> memref<16x512xf32, #tpu.memory_space<hbm>>
      %dma_start3A_377 = arith.constant 0 : i32
      %dma_start3A_378 = arith.constant 0 : i32
      %dma_start3A_379 = tpu.memref_slice %arg7[%dma_start3A_367, %dma_start3A_377, %dma_start3A_378] : memref<4x16x512xf32, #tpu.memory_space<vmem>> -> memref<1x16x512xf32, #tpu.memory_space<vmem>>
      %dma_start3A_380 = tpu.memref_squeeze %dma_start3A_379 : memref<1x16x512xf32, #tpu.memory_space<vmem>> -> memref<16x512xf32, #tpu.memory_space<vmem>>
      tpu.enqueue_dma source(%dma_start3A_380 : memref<16x512xf32, #tpu.memory_space<vmem>>) target(%dma_start3A_376 : memref<16x512xf32, #tpu.memory_space<hbm>>) target_semaphore(%arg11 : memref<!tpu.dma_semaphore, #tpu.memory_space<semaphore_mem>>)
      %dma_start3A_381 = arith.constant 3 : i32
      %dma_start3A_382 = arith.constant 3 : i32
      %dma_start3A_383 = arith.constant 0 : i32
      %dma_start3A_384 = arith.constant 0 : i32
      %dma_start3A_385 = tpu.memref_slice %arg7[%dma_start3A_381, %dma_start3A_383, %dma_start3A_384] : memref<4x16x512xf32, #tpu.memory_space<vmem>> -> memref<1x16x512xf32, #tpu.memory_space<vmem>>
      %dma_start3A_386 = tpu.memref_squeeze %dma_start3A_385 : memref<1x16x512xf32, #tpu.memory_space<vmem>> -> memref<16x512xf32, #tpu.memory_space<vmem>>
      %dma_start3A_387 = tpu.memref_slice %arg4[%dma_start3A_382, %mul3A_2, %mul3A_338] : memref<4x1024x8192xf32, #tpu.memory_space<hbm>> -> memref<1x16x512xf32, #tpu.memory_space<hbm>>
      %dma_start3A_388 = tpu.memref_squeeze %dma_start3A_387 : memref<1x16x512xf32, #tpu.memory_space<hbm>> -> memref<16x512xf32, #tpu.memory_space<hbm>>
      %dma_start3A_389 = tpu.memref_slice %arg4[%dma_start3A_382, %mul3A_2, %mul3A_338] : memref<4x1024x8192xf32, #tpu.memory_space<hbm>> -> memref<1x16x512xf32, #tpu.memory_space<hbm>>
      %dma_start3A_390 = tpu.memref_squeeze %dma_start3A_389 : memref<1x16x512xf32, #tpu.memory_space<hbm>> -> memref<16x512xf32, #tpu.memory_space<hbm>>
      %dma_start3A_391 = arith.constant 0 : i32
      %dma_start3A_392 = arith.constant 0 : i32
      %dma_start3A_393 = tpu.memref_slice %arg7[%dma_start3A_381, %dma_start3A_391, %dma_start3A_392] : memref<4x16x512xf32, #tpu.memory_space<vmem>> -> memref<1x16x512xf32, #tpu.memory_space<vmem>>
      %dma_start3A_394 = tpu.memref_squeeze %dma_start3A_393 : memref<1x16x512xf32, #tpu.memory_space<vmem>> -> memref<16x512xf32, #tpu.memory_space<vmem>>
      tpu.enqueue_dma source(%dma_start3A_394 : memref<16x512xf32, #tpu.memory_space<vmem>>) target(%dma_start3A_390 : memref<16x512xf32, #tpu.memory_space<hbm>>) target_semaphore(%arg11 : memref<!tpu.dma_semaphore, #tpu.memory_space<semaphore_mem>>)
      %dma_wait3A_395 = arith.constant 0 : i32
      %dma_wait3A_396 = tpu.memref_slice %arg3[%dma_wait3A_395, %mul3A_2] : memref<8192x1024xf32, #tpu.memory_space<hbm>> -> memref<512x16xf32, #tpu.memory_space<hbm>>
      %dma_wait3A_397 = arith.constant 0 : i32
      %dma_wait3A_398 = tpu.memref_slice %arg3[%dma_wait3A_397, %mul3A_2] : memref<8192x1024xf32, #tpu.memory_space<hbm>> -> memref<512x16xf32, #tpu.memory_space<hbm>>
      tpu.wait_dma2 semaphore(%arg10 : memref<!tpu.dma_semaphore, #tpu.memory_space<semaphore_mem>>) src(%dma_wait3A_398 : memref<512x16xf32, #tpu.memory_space<hbm>>) dst(%arg6 : memref<512x16xf32, #tpu.memory_space<vmem>>)
      %dma_wait3A_399 = arith.constant 0 : i32
      %dma_wait3A_400 = arith.constant 0 : i32
      %dma_wait3A_401 = arith.constant 0 : i32
      %dma_wait3A_402 = arith.constant 0 : i32
      %dma_wait3A_403 = tpu.memref_slice %arg8[%dma_wait3A_400, %dma_wait3A_401, %dma_wait3A_402] : memref<4x16x512xf32, #tpu.memory_space<vmem>> -> memref<1x16x512xf32, #tpu.memory_space<vmem>>
      %dma_wait3A_404 = tpu.memref_squeeze %dma_wait3A_403 : memref<1x16x512xf32, #tpu.memory_space<vmem>> -> memref<16x512xf32, #tpu.memory_space<vmem>>
      %dma_wait3A_405 = arith.constant 0 : i32
      %dma_wait3A_406 = tpu.memref_slice %arg2[%dma_wait3A_399, %mul3A_2, %dma_wait3A_405] : memref<4x1024x8192xf32, #tpu.memory_space<hbm>> -> memref<1x16x512xf32, #tpu.memory_space<hbm>>
      %dma_wait3A_407 = tpu.memref_squeeze %dma_wait3A_406 : memref<1x16x512xf32, #tpu.memory_space<hbm>> -> memref<16x512xf32, #tpu.memory_space<hbm>>
      %dma_wait3A_408 = arith.constant 0 : i32
      %dma_wait3A_409 = arith.constant 0 : i32
      %dma_wait3A_410 = tpu.memref_slice %arg8[%dma_wait3A_400, %dma_wait3A_408, %dma_wait3A_409] : memref<4x16x512xf32, #tpu.memory_space<vmem>> -> memref<1x16x512xf32, #tpu.memory_space<vmem>>
      %dma_wait3A_411 = tpu.memref_squeeze %dma_wait3A_410 : memref<1x16x512xf32, #tpu.memory_space<vmem>> -> memref<16x512xf32, #tpu.memory_space<vmem>>
      %dma_wait3A_412 = arith.constant 0 : i32
      %dma_wait3A_413 = tpu.memref_slice %arg2[%dma_wait3A_399, %mul3A_2, %dma_wait3A_412] : memref<4x1024x8192xf32, #tpu.memory_space<hbm>> -> memref<1x16x512xf32, #tpu.memory_space<hbm>>
      %dma_wait3A_414 = tpu.memref_squeeze %dma_wait3A_413 : memref<1x16x512xf32, #tpu.memory_space<hbm>> -> memref<16x512xf32, #tpu.memory_space<hbm>>
      tpu.wait_dma2 semaphore(%arg10 : memref<!tpu.dma_semaphore, #tpu.memory_space<semaphore_mem>>) src(%dma_wait3A_414 : memref<16x512xf32, #tpu.memory_space<hbm>>) dst(%dma_wait3A_411 : memref<16x512xf32, #tpu.memory_space<vmem>>)
      %dma_wait3A_415 = arith.constant 1 : i32
      %dma_wait3A_416 = arith.constant 1 : i32
      %dma_wait3A_417 = arith.constant 0 : i32
      %dma_wait3A_418 = arith.constant 0 : i32
      %dma_wait3A_419 = tpu.memref_slice %arg8[%dma_wait3A_416, %dma_wait3A_417, %dma_wait3A_418] : memref<4x16x512xf32, #tpu.memory_space<vmem>> -> memref<1x16x512xf32, #tpu.memory_space<vmem>>
      %dma_wait3A_420 = tpu.memref_squeeze %dma_wait3A_419 : memref<1x16x512xf32, #tpu.memory_space<vmem>> -> memref<16x512xf32, #tpu.memory_space<vmem>>
      %dma_wait3A_421 = arith.constant 0 : i32
      %dma_wait3A_422 = tpu.memref_slice %arg2[%dma_wait3A_415, %mul3A_2, %dma_wait3A_421] : memref<4x1024x8192xf32, #tpu.memory_space<hbm>> -> memref<1x16x512xf32, #tpu.memory_space<hbm>>
      %dma_wait3A_423 = tpu.memref_squeeze %dma_wait3A_422 : memref<1x16x512xf32, #tpu.memory_space<hbm>> -> memref<16x512xf32, #tpu.memory_space<hbm>>
      %dma_wait3A_424 = arith.constant 0 : i32
      %dma_wait3A_425 = arith.constant 0 : i32
      %dma_wait3A_426 = tpu.memref_slice %arg8[%dma_wait3A_416, %dma_wait3A_424, %dma_wait3A_425] : memref<4x16x512xf32, #tpu.memory_space<vmem>> -> memref<1x16x512xf32, #tpu.memory_space<vmem>>
      %dma_wait3A_427 = tpu.memref_squeeze %dma_wait3A_426 : memref<1x16x512xf32, #tpu.memory_space<vmem>> -> memref<16x512xf32, #tpu.memory_space<vmem>>
      %dma_wait3A_428 = arith.constant 0 : i32
      %dma_wait3A_429 = tpu.memref_slice %arg2[%dma_wait3A_415, %mul3A_2, %dma_wait3A_428] : memref<4x1024x8192xf32, #tpu.memory_space<hbm>> -> memref<1x16x512xf32, #tpu.memory_space<hbm>>
      %dma_wait3A_430 = tpu.memref_squeeze %dma_wait3A_429 : memref<1x16x512xf32, #tpu.memory_space<hbm>> -> memref<16x512xf32, #tpu.memory_space<hbm>>
      tpu.wait_dma2 semaphore(%arg10 : memref<!tpu.dma_semaphore, #tpu.memory_space<semaphore_mem>>) src(%dma_wait3A_430 : memref<16x512xf32, #tpu.memory_space<hbm>>) dst(%dma_wait3A_427 : memref<16x512xf32, #tpu.memory_space<vmem>>)
      %dma_wait3A_431 = arith.constant 2 : i32
      %dma_wait3A_432 = arith.constant 2 : i32
      %dma_wait3A_433 = arith.constant 0 : i32
      %dma_wait3A_434 = arith.constant 0 : i32
      %dma_wait3A_435 = tpu.memref_slice %arg8[%dma_wait3A_432, %dma_wait3A_433, %dma_wait3A_434] : memref<4x16x512xf32, #tpu.memory_space<vmem>> -> memref<1x16x512xf32, #tpu.memory_space<vmem>>
      %dma_wait3A_436 = tpu.memref_squeeze %dma_wait3A_435 : memref<1x16x512xf32, #tpu.memory_space<vmem>> -> memref<16x512xf32, #tpu.memory_space<vmem>>
      %dma_wait3A_437 = arith.constant 0 : i32
      %dma_wait3A_438 = tpu.memref_slice %arg2[%dma_wait3A_431, %mul3A_2, %dma_wait3A_437] : memref<4x1024x8192xf32, #tpu.memory_space<hbm>> -> memref<1x16x512xf32, #tpu.memory_space<hbm>>
      %dma_wait3A_439 = tpu.memref_squeeze %dma_wait3A_438 : memref<1x16x512xf32, #tpu.memory_space<hbm>> -> memref<16x512xf32, #tpu.memory_space<hbm>>
      %dma_wait3A_440 = arith.constant 0 : i32
      %dma_wait3A_441 = arith.constant 0 : i32
      %dma_wait3A_442 = tpu.memref_slice %arg8[%dma_wait3A_432, %dma_wait3A_440, %dma_wait3A_441] : memref<4x16x512xf32, #tpu.memory_space<vmem>> -> memref<1x16x512xf32, #tpu.memory_space<vmem>>
      %dma_wait3A_443 = tpu.memref_squeeze %dma_wait3A_442 : memref<1x16x512xf32, #tpu.memory_space<vmem>> -> memref<16x512xf32, #tpu.memory_space<vmem>>
      %dma_wait3A_444 = arith.constant 0 : i32
      %dma_wait3A_445 = tpu.memref_slice %arg2[%dma_wait3A_431, %mul3A_2, %dma_wait3A_444] : memref<4x1024x8192xf32, #tpu.memory_space<hbm>> -> memref<1x16x512xf32, #tpu.memory_space<hbm>>
      %dma_wait3A_446 = tpu.memref_squeeze %dma_wait3A_445 : memref<1x16x512xf32, #tpu.memory_space<hbm>> -> memref<16x512xf32, #tpu.memory_space<hbm>>
      tpu.wait_dma2 semaphore(%arg10 : memref<!tpu.dma_semaphore, #tpu.memory_space<semaphore_mem>>) src(%dma_wait3A_446 : memref<16x512xf32, #tpu.memory_space<hbm>>) dst(%dma_wait3A_443 : memref<16x512xf32, #tpu.memory_space<vmem>>)
      %dma_wait3A_447 = arith.constant 3 : i32
      %dma_wait3A_448 = arith.constant 3 : i32
      %dma_wait3A_449 = arith.constant 0 : i32
      %dma_wait3A_450 = arith.constant 0 : i32
      %dma_wait3A_451 = tpu.memref_slice %arg8[%dma_wait3A_448, %dma_wait3A_449, %dma_wait3A_450] : memref<4x16x512xf32, #tpu.memory_space<vmem>> -> memref<1x16x512xf32, #tpu.memory_space<vmem>>
      %dma_wait3A_452 = tpu.memref_squeeze %dma_wait3A_451 : memref<1x16x512xf32, #tpu.memory_space<vmem>> -> memref<16x512xf32, #tpu.memory_space<vmem>>
      %dma_wait3A_453 = arith.constant 0 : i32
      %dma_wait3A_454 = tpu.memref_slice %arg2[%dma_wait3A_447, %mul3A_2, %dma_wait3A_453] : memref<4x1024x8192xf32, #tpu.memory_space<hbm>> -> memref<1x16x512xf32, #tpu.memory_space<hbm>>
      %dma_wait3A_455 = tpu.memref_squeeze %dma_wait3A_454 : memref<1x16x512xf32, #tpu.memory_space<hbm>> -> memref<16x512xf32, #tpu.memory_space<hbm>>
      %dma_wait3A_456 = arith.constant 0 : i32
      %dma_wait3A_457 = arith.constant 0 : i32
      %dma_wait3A_458 = tpu.memref_slice %arg8[%dma_wait3A_448, %dma_wait3A_456, %dma_wait3A_457] : memref<4x16x512xf32, #tpu.memory_space<vmem>> -> memref<1x16x512xf32, #tpu.memory_space<vmem>>
      %dma_wait3A_459 = tpu.memref_squeeze %dma_wait3A_458 : memref<1x16x512xf32, #tpu.memory_space<vmem>> -> memref<16x512xf32, #tpu.memory_space<vmem>>
      %dma_wait3A_460 = arith.constant 0 : i32
      %dma_wait3A_461 = tpu.memref_slice %arg2[%dma_wait3A_447, %mul3A_2, %dma_wait3A_460] : memref<4x1024x8192xf32, #tpu.memory_space<hbm>> -> memref<1x16x512xf32, #tpu.memory_space<hbm>>
      %dma_wait3A_462 = tpu.memref_squeeze %dma_wait3A_461 : memref<1x16x512xf32, #tpu.memory_space<hbm>> -> memref<16x512xf32, #tpu.memory_space<hbm>>
      tpu.wait_dma2 semaphore(%arg10 : memref<!tpu.dma_semaphore, #tpu.memory_space<semaphore_mem>>) src(%dma_wait3A_462 : memref<16x512xf32, #tpu.memory_space<hbm>>) dst(%dma_wait3A_459 : memref<16x512xf32, #tpu.memory_space<vmem>>)
      %mul3A_463 = arith.constant 512 : i32
      %mul3A_464 = arith.muli %add3A_206, %mul3A_463 : i32
      %dma_start3A_465 = arith.constant 0 : i32
      %dma_start3A_466 = arith.constant 0 : i32
      %dma_start3A_467 = arith.constant 0 : i32
      %dma_start3A_468 = arith.constant 0 : i32
      %dma_start3A_469 = tpu.memref_slice %arg8[%dma_start3A_465, %dma_start3A_467, %dma_start3A_468] : memref<4x16x512xf32, #tpu.memory_space<vmem>> -> memref<1x16x512xf32, #tpu.memory_space<vmem>>
      %dma_start3A_470 = tpu.memref_squeeze %dma_start3A_469 : memref<1x16x512xf32, #tpu.memory_space<vmem>> -> memref<16x512xf32, #tpu.memory_space<vmem>>
      %dma_start3A_471 = tpu.memref_slice %arg4[%dma_start3A_466, %mul3A_2, %mul3A_464] : memref<4x1024x8192xf32, #tpu.memory_space<hbm>> -> memref<1x16x512xf32, #tpu.memory_space<hbm>>
      %dma_start3A_472 = tpu.memref_squeeze %dma_start3A_471 : memref<1x16x512xf32, #tpu.memory_space<hbm>> -> memref<16x512xf32, #tpu.memory_space<hbm>>
      %dma_start3A_473 = tpu.memref_slice %arg4[%dma_start3A_466, %mul3A_2, %mul3A_464] : memref<4x1024x8192xf32, #tpu.memory_space<hbm>> -> memref<1x16x512xf32, #tpu.memory_space<hbm>>
      %dma_start3A_474 = tpu.memref_squeeze %dma_start3A_473 : memref<1x16x512xf32, #tpu.memory_space<hbm>> -> memref<16x512xf32, #tpu.memory_space<hbm>>
      %dma_start3A_475 = arith.constant 0 : i32
      %dma_start3A_476 = arith.constant 0 : i32
      %dma_start3A_477 = tpu.memref_slice %arg8[%dma_start3A_465, %dma_start3A_475, %dma_start3A_476] : memref<4x16x512xf32, #tpu.memory_space<vmem>> -> memref<1x16x512xf32, #tpu.memory_space<vmem>>
      %dma_start3A_478 = tpu.memref_squeeze %dma_start3A_477 : memref<1x16x512xf32, #tpu.memory_space<vmem>> -> memref<16x512xf32, #tpu.memory_space<vmem>>
      tpu.enqueue_dma source(%dma_start3A_478 : memref<16x512xf32, #tpu.memory_space<vmem>>) target(%dma_start3A_474 : memref<16x512xf32, #tpu.memory_space<hbm>>) target_semaphore(%arg12 : memref<!tpu.dma_semaphore, #tpu.memory_space<semaphore_mem>>)
      %dma_start3A_479 = arith.constant 1 : i32
      %dma_start3A_480 = arith.constant 1 : i32
      %dma_start3A_481 = arith.constant 0 : i32
      %dma_start3A_482 = arith.constant 0 : i32
      %dma_start3A_483 = tpu.memref_slice %arg8[%dma_start3A_479, %dma_start3A_481, %dma_start3A_482] : memref<4x16x512xf32, #tpu.memory_space<vmem>> -> memref<1x16x512xf32, #tpu.memory_space<vmem>>
      %dma_start3A_484 = tpu.memref_squeeze %dma_start3A_483 : memref<1x16x512xf32, #tpu.memory_space<vmem>> -> memref<16x512xf32, #tpu.memory_space<vmem>>
      %dma_start3A_485 = tpu.memref_slice %arg4[%dma_start3A_480, %mul3A_2, %mul3A_464] : memref<4x1024x8192xf32, #tpu.memory_space<hbm>> -> memref<1x16x512xf32, #tpu.memory_space<hbm>>
      %dma_start3A_486 = tpu.memref_squeeze %dma_start3A_485 : memref<1x16x512xf32, #tpu.memory_space<hbm>> -> memref<16x512xf32, #tpu.memory_space<hbm>>
      %dma_start3A_487 = tpu.memref_slice %arg4[%dma_start3A_480, %mul3A_2, %mul3A_464] : memref<4x1024x8192xf32, #tpu.memory_space<hbm>> -> memref<1x16x512xf32, #tpu.memory_space<hbm>>
      %dma_start3A_488 = tpu.memref_squeeze %dma_start3A_487 : memref<1x16x512xf32, #tpu.memory_space<hbm>> -> memref<16x512xf32, #tpu.memory_space<hbm>>
      %dma_start3A_489 = arith.constant 0 : i32
      %dma_start3A_490 = arith.constant 0 : i32
      %dma_start3A_491 = tpu.memref_slice %arg8[%dma_start3A_479, %dma_start3A_489, %dma_start3A_490] : memref<4x16x512xf32, #tpu.memory_space<vmem>> -> memref<1x16x512xf32, #tpu.memory_space<vmem>>
      %dma_start3A_492 = tpu.memref_squeeze %dma_start3A_491 : memref<1x16x512xf32, #tpu.memory_space<vmem>> -> memref<16x512xf32, #tpu.memory_space<vmem>>
      tpu.enqueue_dma source(%dma_start3A_492 : memref<16x512xf32, #tpu.memory_space<vmem>>) target(%dma_start3A_488 : memref<16x512xf32, #tpu.memory_space<hbm>>) target_semaphore(%arg12 : memref<!tpu.dma_semaphore, #tpu.memory_space<semaphore_mem>>)
      %dma_start3A_493 = arith.constant 2 : i32
      %dma_start3A_494 = arith.constant 2 : i32
      %dma_start3A_495 = arith.constant 0 : i32
      %dma_start3A_496 = arith.constant 0 : i32
      %dma_start3A_497 = tpu.memref_slice %arg8[%dma_start3A_493, %dma_start3A_495, %dma_start3A_496] : memref<4x16x512xf32, #tpu.memory_space<vmem>> -> memref<1x16x512xf32, #tpu.memory_space<vmem>>
      %dma_start3A_498 = tpu.memref_squeeze %dma_start3A_497 : memref<1x16x512xf32, #tpu.memory_space<vmem>> -> memref<16x512xf32, #tpu.memory_space<vmem>>
      %dma_start3A_499 = tpu.memref_slice %arg4[%dma_start3A_494, %mul3A_2, %mul3A_464] : memref<4x1024x8192xf32, #tpu.memory_space<hbm>> -> memref<1x16x512xf32, #tpu.memory_space<hbm>>
      %dma_start3A_500 = tpu.memref_squeeze %dma_start3A_499 : memref<1x16x512xf32, #tpu.memory_space<hbm>> -> memref<16x512xf32, #tpu.memory_space<hbm>>
      %dma_start3A_501 = tpu.memref_slice %arg4[%dma_start3A_494, %mul3A_2, %mul3A_464] : memref<4x1024x8192xf32, #tpu.memory_space<hbm>> -> memref<1x16x512xf32, #tpu.memory_space<hbm>>
      %dma_start3A_502 = tpu.memref_squeeze %dma_start3A_501 : memref<1x16x512xf32, #tpu.memory_space<hbm>> -> memref<16x512xf32, #tpu.memory_space<hbm>>
      %dma_start3A_503 = arith.constant 0 : i32
      %dma_start3A_504 = arith.constant 0 : i32
      %dma_start3A_505 = tpu.memref_slice %arg8[%dma_start3A_493, %dma_start3A_503, %dma_start3A_504] : memref<4x16x512xf32, #tpu.memory_space<vmem>> -> memref<1x16x512xf32, #tpu.memory_space<vmem>>
      %dma_start3A_506 = tpu.memref_squeeze %dma_start3A_505 : memref<1x16x512xf32, #tpu.memory_space<vmem>> -> memref<16x512xf32, #tpu.memory_space<vmem>>
      tpu.enqueue_dma source(%dma_start3A_506 : memref<16x512xf32, #tpu.memory_space<vmem>>) target(%dma_start3A_502 : memref<16x512xf32, #tpu.memory_space<hbm>>) target_semaphore(%arg12 : memref<!tpu.dma_semaphore, #tpu.memory_space<semaphore_mem>>)
      %dma_start3A_507 = arith.constant 3 : i32
      %dma_start3A_508 = arith.constant 3 : i32
      %dma_start3A_509 = arith.constant 0 : i32
      %dma_start3A_510 = arith.constant 0 : i32
      %dma_start3A_511 = tpu.memref_slice %arg8[%dma_start3A_507, %dma_start3A_509, %dma_start3A_510] : memref<4x16x512xf32, #tpu.memory_space<vmem>> -> memref<1x16x512xf32, #tpu.memory_space<vmem>>
      %dma_start3A_512 = tpu.memref_squeeze %dma_start3A_511 : memref<1x16x512xf32, #tpu.memory_space<vmem>> -> memref<16x512xf32, #tpu.memory_space<vmem>>
      %dma_start3A_513 = tpu.memref_slice %arg4[%dma_start3A_508, %mul3A_2, %mul3A_464] : memref<4x1024x8192xf32, #tpu.memory_space<hbm>> -> memref<1x16x512xf32, #tpu.memory_space<hbm>>
      %dma_start3A_514 = tpu.memref_squeeze %dma_start3A_513 : memref<1x16x512xf32, #tpu.memory_space<hbm>> -> memref<16x512xf32, #tpu.memory_space<hbm>>
      %dma_start3A_515 = tpu.memref_slice %arg4[%dma_start3A_508, %mul3A_2, %mul3A_464] : memref<4x1024x8192xf32, #tpu.memory_space<hbm>> -> memref<1x16x512xf32, #tpu.memory_space<hbm>>
      %dma_start3A_516 = tpu.memref_squeeze %dma_start3A_515 : memref<1x16x512xf32, #tpu.memory_space<hbm>> -> memref<16x512xf32, #tpu.memory_space<hbm>>
      %dma_start3A_517 = arith.constant 0 : i32
      %dma_start3A_518 = arith.constant 0 : i32
      %dma_start3A_519 = tpu.memref_slice %arg8[%dma_start3A_507, %dma_start3A_517, %dma_start3A_518] : memref<4x16x512xf32, #tpu.memory_space<vmem>> -> memref<1x16x512xf32, #tpu.memory_space<vmem>>
      %dma_start3A_520 = tpu.memref_squeeze %dma_start3A_519 : memref<1x16x512xf32, #tpu.memory_space<vmem>> -> memref<16x512xf32, #tpu.memory_space<vmem>>
      tpu.enqueue_dma source(%dma_start3A_520 : memref<16x512xf32, #tpu.memory_space<vmem>>) target(%dma_start3A_516 : memref<16x512xf32, #tpu.memory_space<hbm>>) target_semaphore(%arg12 : memref<!tpu.dma_semaphore, #tpu.memory_space<semaphore_mem>>)
      %lt3A = arith.constant 7 : i32
      %lt3A_521 = arith.cmpi slt, %scan3A_202, %lt3A : i32
      %convert_element_type3A_522 = arith.extui %lt3A_521 : i1 to i32
      %cond3A_523 = arith.constant 0 : i32
      %cond3A_524 = arith.cmpi ne, %convert_element_type3A_522, %cond3A_523 : i32
      scf.if %cond3A_524 {
        %dma_wait3A_525 = arith.constant 0 : i32
        %dma_wait3A_526 = arith.constant 0 : i32
        %dma_wait3A_527 = arith.constant 0 : i32
        %dma_wait3A_528 = arith.constant 0 : i32
        %dma_wait3A_529 = tpu.memref_slice %arg7[%dma_wait3A_525, %dma_wait3A_527, %dma_wait3A_528] : memref<4x16x512xf32, #tpu.memory_space<vmem>> -> memref<1x16x512xf32, #tpu.memory_space<vmem>>
        %dma_wait3A_530 = tpu.memref_squeeze %dma_wait3A_529 : memref<1x16x512xf32, #tpu.memory_space<vmem>> -> memref<16x512xf32, #tpu.memory_space<vmem>>
        %dma_wait3A_531 = arith.constant 0 : i32
        %dma_wait3A_532 = tpu.memref_slice %arg4[%dma_wait3A_526, %mul3A_2, %dma_wait3A_531] : memref<4x1024x8192xf32, #tpu.memory_space<hbm>> -> memref<1x16x512xf32, #tpu.memory_space<hbm>>
        %dma_wait3A_533 = tpu.memref_squeeze %dma_wait3A_532 : memref<1x16x512xf32, #tpu.memory_space<hbm>> -> memref<16x512xf32, #tpu.memory_space<hbm>>
        %dma_wait3A_534 = arith.constant 0 : i32
        %dma_wait3A_535 = tpu.memref_slice %arg4[%dma_wait3A_526, %mul3A_2, %dma_wait3A_534] : memref<4x1024x8192xf32, #tpu.memory_space<hbm>> -> memref<1x16x512xf32, #tpu.memory_space<hbm>>
        %dma_wait3A_536 = tpu.memref_squeeze %dma_wait3A_535 : memref<1x16x512xf32, #tpu.memory_space<hbm>> -> memref<16x512xf32, #tpu.memory_space<hbm>>
        %dma_wait3A_537 = arith.constant 0 : i32
        %dma_wait3A_538 = arith.constant 0 : i32
        %dma_wait3A_539 = tpu.memref_slice %arg7[%dma_wait3A_525, %dma_wait3A_537, %dma_wait3A_538] : memref<4x16x512xf32, #tpu.memory_space<vmem>> -> memref<1x16x512xf32, #tpu.memory_space<vmem>>
        %dma_wait3A_540 = tpu.memref_squeeze %dma_wait3A_539 : memref<1x16x512xf32, #tpu.memory_space<vmem>> -> memref<16x512xf32, #tpu.memory_space<vmem>>
        tpu.wait_dma2 semaphore(%arg11 : memref<!tpu.dma_semaphore, #tpu.memory_space<semaphore_mem>>) src(%dma_wait3A_540 : memref<16x512xf32, #tpu.memory_space<vmem>>) dst(%dma_wait3A_536 : memref<16x512xf32, #tpu.memory_space<hbm>>)
        %dma_wait3A_541 = arith.constant 1 : i32
        %dma_wait3A_542 = arith.constant 1 : i32
        %dma_wait3A_543 = arith.constant 0 : i32
        %dma_wait3A_544 = arith.constant 0 : i32
        %dma_wait3A_545 = tpu.memref_slice %arg7[%dma_wait3A_541, %dma_wait3A_543, %dma_wait3A_544] : memref<4x16x512xf32, #tpu.memory_space<vmem>> -> memref<1x16x512xf32, #tpu.memory_space<vmem>>
        %dma_wait3A_546 = tpu.memref_squeeze %dma_wait3A_545 : memref<1x16x512xf32, #tpu.memory_space<vmem>> -> memref<16x512xf32, #tpu.memory_space<vmem>>
        %dma_wait3A_547 = arith.constant 0 : i32
        %dma_wait3A_548 = tpu.memref_slice %arg4[%dma_wait3A_542, %mul3A_2, %dma_wait3A_547] : memref<4x1024x8192xf32, #tpu.memory_space<hbm>> -> memref<1x16x512xf32, #tpu.memory_space<hbm>>
        %dma_wait3A_549 = tpu.memref_squeeze %dma_wait3A_548 : memref<1x16x512xf32, #tpu.memory_space<hbm>> -> memref<16x512xf32, #tpu.memory_space<hbm>>
        %dma_wait3A_550 = arith.constant 0 : i32
        %dma_wait3A_551 = tpu.memref_slice %arg4[%dma_wait3A_542, %mul3A_2, %dma_wait3A_550] : memref<4x1024x8192xf32, #tpu.memory_space<hbm>> -> memref<1x16x512xf32, #tpu.memory_space<hbm>>
        %dma_wait3A_552 = tpu.memref_squeeze %dma_wait3A_551 : memref<1x16x512xf32, #tpu.memory_space<hbm>> -> memref<16x512xf32, #tpu.memory_space<hbm>>
        %dma_wait3A_553 = arith.constant 0 : i32
        %dma_wait3A_554 = arith.constant 0 : i32
        %dma_wait3A_555 = tpu.memref_slice %arg7[%dma_wait3A_541, %dma_wait3A_553, %dma_wait3A_554] : memref<4x16x512xf32, #tpu.memory_space<vmem>> -> memref<1x16x512xf32, #tpu.memory_space<vmem>>
        %dma_wait3A_556 = tpu.memref_squeeze %dma_wait3A_555 : memref<1x16x512xf32, #tpu.memory_space<vmem>> -> memref<16x512xf32, #tpu.memory_space<vmem>>
        tpu.wait_dma2 semaphore(%arg11 : memref<!tpu.dma_semaphore, #tpu.memory_space<semaphore_mem>>) src(%dma_wait3A_556 : memref<16x512xf32, #tpu.memory_space<vmem>>) dst(%dma_wait3A_552 : memref<16x512xf32, #tpu.memory_space<hbm>>)
        %dma_wait3A_557 = arith.constant 2 : i32
        %dma_wait3A_558 = arith.constant 2 : i32
        %dma_wait3A_559 = arith.constant 0 : i32
        %dma_wait3A_560 = arith.constant 0 : i32
        %dma_wait3A_561 = tpu.memref_slice %arg7[%dma_wait3A_557, %dma_wait3A_559, %dma_wait3A_560] : memref<4x16x512xf32, #tpu.memory_space<vmem>> -> memref<1x16x512xf32, #tpu.memory_space<vmem>>
        %dma_wait3A_562 = tpu.memref_squeeze %dma_wait3A_561 : memref<1x16x512xf32, #tpu.memory_space<vmem>> -> memref<16x512xf32, #tpu.memory_space<vmem>>
        %dma_wait3A_563 = arith.constant 0 : i32
        %dma_wait3A_564 = tpu.memref_slice %arg4[%dma_wait3A_558, %mul3A_2, %dma_wait3A_563] : memref<4x1024x8192xf32, #tpu.memory_space<hbm>> -> memref<1x16x512xf32, #tpu.memory_space<hbm>>
        %dma_wait3A_565 = tpu.memref_squeeze %dma_wait3A_564 : memref<1x16x512xf32, #tpu.memory_space<hbm>> -> memref<16x512xf32, #tpu.memory_space<hbm>>
        %dma_wait3A_566 = arith.constant 0 : i32
        %dma_wait3A_567 = tpu.memref_slice %arg4[%dma_wait3A_558, %mul3A_2, %dma_wait3A_566] : memref<4x1024x8192xf32, #tpu.memory_space<hbm>> -> memref<1x16x512xf32, #tpu.memory_space<hbm>>
        %dma_wait3A_568 = tpu.memref_squeeze %dma_wait3A_567 : memref<1x16x512xf32, #tpu.memory_space<hbm>> -> memref<16x512xf32, #tpu.memory_space<hbm>>
        %dma_wait3A_569 = arith.constant 0 : i32
        %dma_wait3A_570 = arith.constant 0 : i32
        %dma_wait3A_571 = tpu.memref_slice %arg7[%dma_wait3A_557, %dma_wait3A_569, %dma_wait3A_570] : memref<4x16x512xf32, #tpu.memory_space<vmem>> -> memref<1x16x512xf32, #tpu.memory_space<vmem>>
        %dma_wait3A_572 = tpu.memref_squeeze %dma_wait3A_571 : memref<1x16x512xf32, #tpu.memory_space<vmem>> -> memref<16x512xf32, #tpu.memory_space<vmem>>
        tpu.wait_dma2 semaphore(%arg11 : memref<!tpu.dma_semaphore, #tpu.memory_space<semaphore_mem>>) src(%dma_wait3A_572 : memref<16x512xf32, #tpu.memory_space<vmem>>) dst(%dma_wait3A_568 : memref<16x512xf32, #tpu.memory_space<hbm>>)
        %dma_wait3A_573 = arith.constant 3 : i32
        %dma_wait3A_574 = arith.constant 3 : i32
        %dma_wait3A_575 = arith.constant 0 : i32
        %dma_wait3A_576 = arith.constant 0 : i32
        %dma_wait3A_577 = tpu.memref_slice %arg7[%dma_wait3A_573, %dma_wait3A_575, %dma_wait3A_576] : memref<4x16x512xf32, #tpu.memory_space<vmem>> -> memref<1x16x512xf32, #tpu.memory_space<vmem>>
        %dma_wait3A_578 = tpu.memref_squeeze %dma_wait3A_577 : memref<1x16x512xf32, #tpu.memory_space<vmem>> -> memref<16x512xf32, #tpu.memory_space<vmem>>
        %dma_wait3A_579 = arith.constant 0 : i32
        %dma_wait3A_580 = tpu.memref_slice %arg4[%dma_wait3A_574, %mul3A_2, %dma_wait3A_579] : memref<4x1024x8192xf32, #tpu.memory_space<hbm>> -> memref<1x16x512xf32, #tpu.memory_space<hbm>>
        %dma_wait3A_581 = tpu.memref_squeeze %dma_wait3A_580 : memref<1x16x512xf32, #tpu.memory_space<hbm>> -> memref<16x512xf32, #tpu.memory_space<hbm>>
        %dma_wait3A_582 = arith.constant 0 : i32
        %dma_wait3A_583 = tpu.memref_slice %arg4[%dma_wait3A_574, %mul3A_2, %dma_wait3A_582] : memref<4x1024x8192xf32, #tpu.memory_space<hbm>> -> memref<1x16x512xf32, #tpu.memory_space<hbm>>
        %dma_wait3A_584 = tpu.memref_squeeze %dma_wait3A_583 : memref<1x16x512xf32, #tpu.memory_space<hbm>> -> memref<16x512xf32, #tpu.memory_space<hbm>>
        %dma_wait3A_585 = arith.constant 0 : i32
        %dma_wait3A_586 = arith.constant 0 : i32
        %dma_wait3A_587 = tpu.memref_slice %arg7[%dma_wait3A_573, %dma_wait3A_585, %dma_wait3A_586] : memref<4x16x512xf32, #tpu.memory_space<vmem>> -> memref<1x16x512xf32, #tpu.memory_space<vmem>>
        %dma_wait3A_588 = tpu.memref_squeeze %dma_wait3A_587 : memref<1x16x512xf32, #tpu.memory_space<vmem>> -> memref<16x512xf32, #tpu.memory_space<vmem>>
        tpu.wait_dma2 semaphore(%arg11 : memref<!tpu.dma_semaphore, #tpu.memory_space<semaphore_mem>>) src(%dma_wait3A_588 : memref<16x512xf32, #tpu.memory_space<vmem>>) dst(%dma_wait3A_584 : memref<16x512xf32, #tpu.memory_space<hbm>>)
        %add3A_589 = arith.constant 2 : i32
        %add3A_590 = arith.addi %mul3A_204, %add3A_589 : i32
        %mul3A_591 = arith.constant 512 : i32
        %mul3A_592 = arith.muli %add3A_590, %mul3A_591 : i32
        %dma_start3A_593 = tpu.memref_slice %arg3[%mul3A_592, %mul3A_2] : memref<8192x1024xf32, #tpu.memory_space<hbm>> -> memref<512x16xf32, #tpu.memory_space<hbm>>
        %dma_start3A_594 = tpu.memref_slice %arg3[%mul3A_592, %mul3A_2] : memref<8192x1024xf32, #tpu.memory_space<hbm>> -> memref<512x16xf32, #tpu.memory_space<hbm>>
        tpu.enqueue_dma source(%dma_start3A_594 : memref<512x16xf32, #tpu.memory_space<hbm>>) target(%arg5 : memref<512x16xf32, #tpu.memory_space<vmem>>) target_semaphore(%arg9 : memref<!tpu.dma_semaphore, #tpu.memory_space<semaphore_mem>>)
        %dma_start3A_595 = arith.constant 0 : i32
        %dma_start3A_596 = arith.constant 0 : i32
        %dma_start3A_597 = arith.constant 0 : i32
        %dma_start3A_598 = arith.constant 0 : i32
        %dma_start3A_599 = tpu.memref_slice %arg7[%dma_start3A_596, %dma_start3A_597, %dma_start3A_598] : memref<4x16x512xf32, #tpu.memory_space<vmem>> -> memref<1x16x512xf32, #tpu.memory_space<vmem>>
        %dma_start3A_600 = tpu.memref_squeeze %dma_start3A_599 : memref<1x16x512xf32, #tpu.memory_space<vmem>> -> memref<16x512xf32, #tpu.memory_space<vmem>>
        %dma_start3A_601 = tpu.memref_slice %arg2[%dma_start3A_595, %mul3A_2, %mul3A_592] : memref<4x1024x8192xf32, #tpu.memory_space<hbm>> -> memref<1x16x512xf32, #tpu.memory_space<hbm>>
        %dma_start3A_602 = tpu.memref_squeeze %dma_start3A_601 : memref<1x16x512xf32, #tpu.memory_space<hbm>> -> memref<16x512xf32, #tpu.memory_space<hbm>>
        %dma_start3A_603 = arith.constant 0 : i32
        %dma_start3A_604 = arith.constant 0 : i32
        %dma_start3A_605 = tpu.memref_slice %arg7[%dma_start3A_596, %dma_start3A_603, %dma_start3A_604] : memref<4x16x512xf32, #tpu.memory_space<vmem>> -> memref<1x16x512xf32, #tpu.memory_space<vmem>>
        %dma_start3A_606 = tpu.memref_squeeze %dma_start3A_605 : memref<1x16x512xf32, #tpu.memory_space<vmem>> -> memref<16x512xf32, #tpu.memory_space<vmem>>
        %dma_start3A_607 = tpu.memref_slice %arg2[%dma_start3A_595, %mul3A_2, %mul3A_592] : memref<4x1024x8192xf32, #tpu.memory_space<hbm>> -> memref<1x16x512xf32, #tpu.memory_space<hbm>>
        %dma_start3A_608 = tpu.memref_squeeze %dma_start3A_607 : memref<1x16x512xf32, #tpu.memory_space<hbm>> -> memref<16x512xf32, #tpu.memory_space<hbm>>
        tpu.enqueue_dma source(%dma_start3A_608 : memref<16x512xf32, #tpu.memory_space<hbm>>) target(%dma_start3A_606 : memref<16x512xf32, #tpu.memory_space<vmem>>) target_semaphore(%arg9 : memref<!tpu.dma_semaphore, #tpu.memory_space<semaphore_mem>>)
        %dma_start3A_609 = arith.constant 1 : i32
        %dma_start3A_610 = arith.constant 1 : i32
        %dma_start3A_611 = arith.constant 0 : i32
        %dma_start3A_612 = arith.constant 0 : i32
        %dma_start3A_613 = tpu.memref_slice %arg7[%dma_start3A_610, %dma_start3A_611, %dma_start3A_612] : memref<4x16x512xf32, #tpu.memory_space<vmem>> -> memref<1x16x512xf32, #tpu.memory_space<vmem>>
        %dma_start3A_614 = tpu.memref_squeeze %dma_start3A_613 : memref<1x16x512xf32, #tpu.memory_space<vmem>> -> memref<16x512xf32, #tpu.memory_space<vmem>>
        %dma_start3A_615 = tpu.memref_slice %arg2[%dma_start3A_609, %mul3A_2, %mul3A_592] : memref<4x1024x8192xf32, #tpu.memory_space<hbm>> -> memref<1x16x512xf32, #tpu.memory_space<hbm>>
        %dma_start3A_616 = tpu.memref_squeeze %dma_start3A_615 : memref<1x16x512xf32, #tpu.memory_space<hbm>> -> memref<16x512xf32, #tpu.memory_space<hbm>>
        %dma_start3A_617 = arith.constant 0 : i32
        %dma_start3A_618 = arith.constant 0 : i32
        %dma_start3A_619 = tpu.memref_slice %arg7[%dma_start3A_610, %dma_start3A_617, %dma_start3A_618] : memref<4x16x512xf32, #tpu.memory_space<vmem>> -> memref<1x16x512xf32, #tpu.memory_space<vmem>>
        %dma_start3A_620 = tpu.memref_squeeze %dma_start3A_619 : memref<1x16x512xf32, #tpu.memory_space<vmem>> -> memref<16x512xf32, #tpu.memory_space<vmem>>
        %dma_start3A_621 = tpu.memref_slice %arg2[%dma_start3A_609, %mul3A_2, %mul3A_592] : memref<4x1024x8192xf32, #tpu.memory_space<hbm>> -> memref<1x16x512xf32, #tpu.memory_space<hbm>>
        %dma_start3A_622 = tpu.memref_squeeze %dma_start3A_621 : memref<1x16x512xf32, #tpu.memory_space<hbm>> -> memref<16x512xf32, #tpu.memory_space<hbm>>
        tpu.enqueue_dma source(%dma_start3A_622 : memref<16x512xf32, #tpu.memory_space<hbm>>) target(%dma_start3A_620 : memref<16x512xf32, #tpu.memory_space<vmem>>) target_semaphore(%arg9 : memref<!tpu.dma_semaphore, #tpu.memory_space<semaphore_mem>>)
        %dma_start3A_623 = arith.constant 2 : i32
        %dma_start3A_624 = arith.constant 2 : i32
        %dma_start3A_625 = arith.constant 0 : i32
        %dma_start3A_626 = arith.constant 0 : i32
        %dma_start3A_627 = tpu.memref_slice %arg7[%dma_start3A_624, %dma_start3A_625, %dma_start3A_626] : memref<4x16x512xf32, #tpu.memory_space<vmem>> -> memref<1x16x512xf32, #tpu.memory_space<vmem>>
        %dma_start3A_628 = tpu.memref_squeeze %dma_start3A_627 : memref<1x16x512xf32, #tpu.memory_space<vmem>> -> memref<16x512xf32, #tpu.memory_space<vmem>>
        %dma_start3A_629 = tpu.memref_slice %arg2[%dma_start3A_623, %mul3A_2, %mul3A_592] : memref<4x1024x8192xf32, #tpu.memory_space<hbm>> -> memref<1x16x512xf32, #tpu.memory_space<hbm>>
        %dma_start3A_630 = tpu.memref_squeeze %dma_start3A_629 : memref<1x16x512xf32, #tpu.memory_space<hbm>> -> memref<16x512xf32, #tpu.memory_space<hbm>>
        %dma_start3A_631 = arith.constant 0 : i32
        %dma_start3A_632 = arith.constant 0 : i32
        %dma_start3A_633 = tpu.memref_slice %arg7[%dma_start3A_624, %dma_start3A_631, %dma_start3A_632] : memref<4x16x512xf32, #tpu.memory_space<vmem>> -> memref<1x16x512xf32, #tpu.memory_space<vmem>>
        %dma_start3A_634 = tpu.memref_squeeze %dma_start3A_633 : memref<1x16x512xf32, #tpu.memory_space<vmem>> -> memref<16x512xf32, #tpu.memory_space<vmem>>
        %dma_start3A_635 = tpu.memref_slice %arg2[%dma_start3A_623, %mul3A_2, %mul3A_592] : memref<4x1024x8192xf32, #tpu.memory_space<hbm>> -> memref<1x16x512xf32, #tpu.memory_space<hbm>>
        %dma_start3A_636 = tpu.memref_squeeze %dma_start3A_635 : memref<1x16x512xf32, #tpu.memory_space<hbm>> -> memref<16x512xf32, #tpu.memory_space<hbm>>
        tpu.enqueue_dma source(%dma_start3A_636 : memref<16x512xf32, #tpu.memory_space<hbm>>) target(%dma_start3A_634 : memref<16x512xf32, #tpu.memory_space<vmem>>) target_semaphore(%arg9 : memref<!tpu.dma_semaphore, #tpu.memory_space<semaphore_mem>>)
        %dma_start3A_637 = arith.constant 3 : i32
        %dma_start3A_638 = arith.constant 3 : i32
        %dma_start3A_639 = arith.constant 0 : i32
        %dma_start3A_640 = arith.constant 0 : i32
        %dma_start3A_641 = tpu.memref_slice %arg7[%dma_start3A_638, %dma_start3A_639, %dma_start3A_640] : memref<4x16x512xf32, #tpu.memory_space<vmem>> -> memref<1x16x512xf32, #tpu.memory_space<vmem>>
        %dma_start3A_642 = tpu.memref_squeeze %dma_start3A_641 : memref<1x16x512xf32, #tpu.memory_space<vmem>> -> memref<16x512xf32, #tpu.memory_space<vmem>>
        %dma_start3A_643 = tpu.memref_slice %arg2[%dma_start3A_637, %mul3A_2, %mul3A_592] : memref<4x1024x8192xf32, #tpu.memory_space<hbm>> -> memref<1x16x512xf32, #tpu.memory_space<hbm>>
        %dma_start3A_644 = tpu.memref_squeeze %dma_start3A_643 : memref<1x16x512xf32, #tpu.memory_space<hbm>> -> memref<16x512xf32, #tpu.memory_space<hbm>>
        %dma_start3A_645 = arith.constant 0 : i32
        %dma_start3A_646 = arith.constant 0 : i32
        %dma_start3A_647 = tpu.memref_slice %arg7[%dma_start3A_638, %dma_start3A_645, %dma_start3A_646] : memref<4x16x512xf32, #tpu.memory_space<vmem>> -> memref<1x16x512xf32, #tpu.memory_space<vmem>>
        %dma_start3A_648 = tpu.memref_squeeze %dma_start3A_647 : memref<1x16x512xf32, #tpu.memory_space<vmem>> -> memref<16x512xf32, #tpu.memory_space<vmem>>
        %dma_start3A_649 = tpu.memref_slice %arg2[%dma_start3A_637, %mul3A_2, %mul3A_592] : memref<4x1024x8192xf32, #tpu.memory_space<hbm>> -> memref<1x16x512xf32, #tpu.memory_space<hbm>>
        %dma_start3A_650 = tpu.memref_squeeze %dma_start3A_649 : memref<1x16x512xf32, #tpu.memory_space<hbm>> -> memref<16x512xf32, #tpu.memory_space<hbm>>
        tpu.enqueue_dma source(%dma_start3A_650 : memref<16x512xf32, #tpu.memory_space<hbm>>) target(%dma_start3A_648 : memref<16x512xf32, #tpu.memory_space<vmem>>) target_semaphore(%arg9 : memref<!tpu.dma_semaphore, #tpu.memory_space<semaphore_mem>>)
      } else {
      }
    }
    %scan3A_74 = arith.constant 8 : i32
    %dma_wait3A = arith.constant 0 : i32
    %dma_wait3A_75 = arith.constant 0 : i32
    %dma_wait3A_76 = arith.constant 0 : i32
    %dma_wait3A_77 = arith.constant 0 : i32
    %dma_wait3A_78 = tpu.memref_slice %arg7[%dma_wait3A, %dma_wait3A_76, %dma_wait3A_77] : memref<4x16x512xf32, #tpu.memory_space<vmem>> -> memref<1x16x512xf32, #tpu.memory_space<vmem>>
    %dma_wait3A_79 = tpu.memref_squeeze %dma_wait3A_78 : memref<1x16x512xf32, #tpu.memory_space<vmem>> -> memref<16x512xf32, #tpu.memory_space<vmem>>
    %dma_wait3A_80 = arith.constant 0 : i32
    %dma_wait3A_81 = tpu.memref_slice %arg4[%dma_wait3A_75, %mul3A_2, %dma_wait3A_80] : memref<4x1024x8192xf32, #tpu.memory_space<hbm>> -> memref<1x16x512xf32, #tpu.memory_space<hbm>>
    %dma_wait3A_82 = tpu.memref_squeeze %dma_wait3A_81 : memref<1x16x512xf32, #tpu.memory_space<hbm>> -> memref<16x512xf32, #tpu.memory_space<hbm>>
    %dma_wait3A_83 = arith.constant 0 : i32
    %dma_wait3A_84 = tpu.memref_slice %arg4[%dma_wait3A_75, %mul3A_2, %dma_wait3A_83] : memref<4x1024x8192xf32, #tpu.memory_space<hbm>> -> memref<1x16x512xf32, #tpu.memory_space<hbm>>
    %dma_wait3A_85 = tpu.memref_squeeze %dma_wait3A_84 : memref<1x16x512xf32, #tpu.memory_space<hbm>> -> memref<16x512xf32, #tpu.memory_space<hbm>>
    %dma_wait3A_86 = arith.constant 0 : i32
    %dma_wait3A_87 = arith.constant 0 : i32
    %dma_wait3A_88 = tpu.memref_slice %arg7[%dma_wait3A, %dma_wait3A_86, %dma_wait3A_87] : memref<4x16x512xf32, #tpu.memory_space<vmem>> -> memref<1x16x512xf32, #tpu.memory_space<vmem>>
    %dma_wait3A_89 = tpu.memref_squeeze %dma_wait3A_88 : memref<1x16x512xf32, #tpu.memory_space<vmem>> -> memref<16x512xf32, #tpu.memory_space<vmem>>
    tpu.wait_dma2 semaphore(%arg11 : memref<!tpu.dma_semaphore, #tpu.memory_space<semaphore_mem>>) src(%dma_wait3A_89 : memref<16x512xf32, #tpu.memory_space<vmem>>) dst(%dma_wait3A_85 : memref<16x512xf32, #tpu.memory_space<hbm>>)
    %dma_wait3A_90 = arith.constant 1 : i32
    %dma_wait3A_91 = arith.constant 1 : i32
    %dma_wait3A_92 = arith.constant 0 : i32
    %dma_wait3A_93 = arith.constant 0 : i32
    %dma_wait3A_94 = tpu.memref_slice %arg7[%dma_wait3A_90, %dma_wait3A_92, %dma_wait3A_93] : memref<4x16x512xf32, #tpu.memory_space<vmem>> -> memref<1x16x512xf32, #tpu.memory_space<vmem>>
    %dma_wait3A_95 = tpu.memref_squeeze %dma_wait3A_94 : memref<1x16x512xf32, #tpu.memory_space<vmem>> -> memref<16x512xf32, #tpu.memory_space<vmem>>
    %dma_wait3A_96 = arith.constant 0 : i32
    %dma_wait3A_97 = tpu.memref_slice %arg4[%dma_wait3A_91, %mul3A_2, %dma_wait3A_96] : memref<4x1024x8192xf32, #tpu.memory_space<hbm>> -> memref<1x16x512xf32, #tpu.memory_space<hbm>>
    %dma_wait3A_98 = tpu.memref_squeeze %dma_wait3A_97 : memref<1x16x512xf32, #tpu.memory_space<hbm>> -> memref<16x512xf32, #tpu.memory_space<hbm>>
    %dma_wait3A_99 = arith.constant 0 : i32
    %dma_wait3A_100 = tpu.memref_slice %arg4[%dma_wait3A_91, %mul3A_2, %dma_wait3A_99] : memref<4x1024x8192xf32, #tpu.memory_space<hbm>> -> memref<1x16x512xf32, #tpu.memory_space<hbm>>
    %dma_wait3A_101 = tpu.memref_squeeze %dma_wait3A_100 : memref<1x16x512xf32, #tpu.memory_space<hbm>> -> memref<16x512xf32, #tpu.memory_space<hbm>>
    %dma_wait3A_102 = arith.constant 0 : i32
    %dma_wait3A_103 = arith.constant 0 : i32
    %dma_wait3A_104 = tpu.memref_slice %arg7[%dma_wait3A_90, %dma_wait3A_102, %dma_wait3A_103] : memref<4x16x512xf32, #tpu.memory_space<vmem>> -> memref<1x16x512xf32, #tpu.memory_space<vmem>>
    %dma_wait3A_105 = tpu.memref_squeeze %dma_wait3A_104 : memref<1x16x512xf32, #tpu.memory_space<vmem>> -> memref<16x512xf32, #tpu.memory_space<vmem>>
    tpu.wait_dma2 semaphore(%arg11 : memref<!tpu.dma_semaphore, #tpu.memory_space<semaphore_mem>>) src(%dma_wait3A_105 : memref<16x512xf32, #tpu.memory_space<vmem>>) dst(%dma_wait3A_101 : memref<16x512xf32, #tpu.memory_space<hbm>>)
    %dma_wait3A_106 = arith.constant 2 : i32
    %dma_wait3A_107 = arith.constant 2 : i32
    %dma_wait3A_108 = arith.constant 0 : i32
    %dma_wait3A_109 = arith.constant 0 : i32
    %dma_wait3A_110 = tpu.memref_slice %arg7[%dma_wait3A_106, %dma_wait3A_108, %dma_wait3A_109] : memref<4x16x512xf32, #tpu.memory_space<vmem>> -> memref<1x16x512xf32, #tpu.memory_space<vmem>>
    %dma_wait3A_111 = tpu.memref_squeeze %dma_wait3A_110 : memref<1x16x512xf32, #tpu.memory_space<vmem>> -> memref<16x512xf32, #tpu.memory_space<vmem>>
    %dma_wait3A_112 = arith.constant 0 : i32
    %dma_wait3A_113 = tpu.memref_slice %arg4[%dma_wait3A_107, %mul3A_2, %dma_wait3A_112] : memref<4x1024x8192xf32, #tpu.memory_space<hbm>> -> memref<1x16x512xf32, #tpu.memory_space<hbm>>
    %dma_wait3A_114 = tpu.memref_squeeze %dma_wait3A_113 : memref<1x16x512xf32, #tpu.memory_space<hbm>> -> memref<16x512xf32, #tpu.memory_space<hbm>>
    %dma_wait3A_115 = arith.constant 0 : i32
    %dma_wait3A_116 = tpu.memref_slice %arg4[%dma_wait3A_107, %mul3A_2, %dma_wait3A_115] : memref<4x1024x8192xf32, #tpu.memory_space<hbm>> -> memref<1x16x512xf32, #tpu.memory_space<hbm>>
    %dma_wait3A_117 = tpu.memref_squeeze %dma_wait3A_116 : memref<1x16x512xf32, #tpu.memory_space<hbm>> -> memref<16x512xf32, #tpu.memory_space<hbm>>
    %dma_wait3A_118 = arith.constant 0 : i32
    %dma_wait3A_119 = arith.constant 0 : i32
    %dma_wait3A_120 = tpu.memref_slice %arg7[%dma_wait3A_106, %dma_wait3A_118, %dma_wait3A_119] : memref<4x16x512xf32, #tpu.memory_space<vmem>> -> memref<1x16x512xf32, #tpu.memory_space<vmem>>
    %dma_wait3A_121 = tpu.memref_squeeze %dma_wait3A_120 : memref<1x16x512xf32, #tpu.memory_space<vmem>> -> memref<16x512xf32, #tpu.memory_space<vmem>>
    tpu.wait_dma2 semaphore(%arg11 : memref<!tpu.dma_semaphore, #tpu.memory_space<semaphore_mem>>) src(%dma_wait3A_121 : memref<16x512xf32, #tpu.memory_space<vmem>>) dst(%dma_wait3A_117 : memref<16x512xf32, #tpu.memory_space<hbm>>)
    %dma_wait3A_122 = arith.constant 3 : i32
    %dma_wait3A_123 = arith.constant 3 : i32
    %dma_wait3A_124 = arith.constant 0 : i32
    %dma_wait3A_125 = arith.constant 0 : i32
    %dma_wait3A_126 = tpu.memref_slice %arg7[%dma_wait3A_122, %dma_wait3A_124, %dma_wait3A_125] : memref<4x16x512xf32, #tpu.memory_space<vmem>> -> memref<1x16x512xf32, #tpu.memory_space<vmem>>
    %dma_wait3A_127 = tpu.memref_squeeze %dma_wait3A_126 : memref<1x16x512xf32, #tpu.memory_space<vmem>> -> memref<16x512xf32, #tpu.memory_space<vmem>>
    %dma_wait3A_128 = arith.constant 0 : i32
    %dma_wait3A_129 = tpu.memref_slice %arg4[%dma_wait3A_123, %mul3A_2, %dma_wait3A_128] : memref<4x1024x8192xf32, #tpu.memory_space<hbm>> -> memref<1x16x512xf32, #tpu.memory_space<hbm>>
    %dma_wait3A_130 = tpu.memref_squeeze %dma_wait3A_129 : memref<1x16x512xf32, #tpu.memory_space<hbm>> -> memref<16x512xf32, #tpu.memory_space<hbm>>
    %dma_wait3A_131 = arith.constant 0 : i32
    %dma_wait3A_132 = tpu.memref_slice %arg4[%dma_wait3A_123, %mul3A_2, %dma_wait3A_131] : memref<4x1024x8192xf32, #tpu.memory_space<hbm>> -> memref<1x16x512xf32, #tpu.memory_space<hbm>>
    %dma_wait3A_133 = tpu.memref_squeeze %dma_wait3A_132 : memref<1x16x512xf32, #tpu.memory_space<hbm>> -> memref<16x512xf32, #tpu.memory_space<hbm>>
    %dma_wait3A_134 = arith.constant 0 : i32
    %dma_wait3A_135 = arith.constant 0 : i32
    %dma_wait3A_136 = tpu.memref_slice %arg7[%dma_wait3A_122, %dma_wait3A_134, %dma_wait3A_135] : memref<4x16x512xf32, #tpu.memory_space<vmem>> -> memref<1x16x512xf32, #tpu.memory_space<vmem>>
    %dma_wait3A_137 = tpu.memref_squeeze %dma_wait3A_136 : memref<1x16x512xf32, #tpu.memory_space<vmem>> -> memref<16x512xf32, #tpu.memory_space<vmem>>
    tpu.wait_dma2 semaphore(%arg11 : memref<!tpu.dma_semaphore, #tpu.memory_space<semaphore_mem>>) src(%dma_wait3A_137 : memref<16x512xf32, #tpu.memory_space<vmem>>) dst(%dma_wait3A_133 : memref<16x512xf32, #tpu.memory_space<hbm>>)
    %dma_wait3A_138 = arith.constant 0 : i32
    %dma_wait3A_139 = arith.constant 0 : i32
    %dma_wait3A_140 = arith.constant 0 : i32
    %dma_wait3A_141 = arith.constant 0 : i32
    %dma_wait3A_142 = tpu.memref_slice %arg8[%dma_wait3A_138, %dma_wait3A_140, %dma_wait3A_141] : memref<4x16x512xf32, #tpu.memory_space<vmem>> -> memref<1x16x512xf32, #tpu.memory_space<vmem>>
    %dma_wait3A_143 = tpu.memref_squeeze %dma_wait3A_142 : memref<1x16x512xf32, #tpu.memory_space<vmem>> -> memref<16x512xf32, #tpu.memory_space<vmem>>
    %dma_wait3A_144 = arith.constant 0 : i32
    %dma_wait3A_145 = tpu.memref_slice %arg4[%dma_wait3A_139, %mul3A_2, %dma_wait3A_144] : memref<4x1024x8192xf32, #tpu.memory_space<hbm>> -> memref<1x16x512xf32, #tpu.memory_space<hbm>>
    %dma_wait3A_146 = tpu.memref_squeeze %dma_wait3A_145 : memref<1x16x512xf32, #tpu.memory_space<hbm>> -> memref<16x512xf32, #tpu.memory_space<hbm>>
    %dma_wait3A_147 = arith.constant 0 : i32
    %dma_wait3A_148 = tpu.memref_slice %arg4[%dma_wait3A_139, %mul3A_2, %dma_wait3A_147] : memref<4x1024x8192xf32, #tpu.memory_space<hbm>> -> memref<1x16x512xf32, #tpu.memory_space<hbm>>
    %dma_wait3A_149 = tpu.memref_squeeze %dma_wait3A_148 : memref<1x16x512xf32, #tpu.memory_space<hbm>> -> memref<16x512xf32, #tpu.memory_space<hbm>>
    %dma_wait3A_150 = arith.constant 0 : i32
    %dma_wait3A_151 = arith.constant 0 : i32
    %dma_wait3A_152 = tpu.memref_slice %arg8[%dma_wait3A_138, %dma_wait3A_150, %dma_wait3A_151] : memref<4x16x512xf32, #tpu.memory_space<vmem>> -> memref<1x16x512xf32, #tpu.memory_space<vmem>>
    %dma_wait3A_153 = tpu.memref_squeeze %dma_wait3A_152 : memref<1x16x512xf32, #tpu.memory_space<vmem>> -> memref<16x512xf32, #tpu.memory_space<vmem>>
    tpu.wait_dma2 semaphore(%arg12 : memref<!tpu.dma_semaphore, #tpu.memory_space<semaphore_mem>>) src(%dma_wait3A_153 : memref<16x512xf32, #tpu.memory_space<vmem>>) dst(%dma_wait3A_149 : memref<16x512xf32, #tpu.memory_space<hbm>>)
    %dma_wait3A_154 = arith.constant 1 : i32
    %dma_wait3A_155 = arith.constant 1 : i32
    %dma_wait3A_156 = arith.constant 0 : i32
    %dma_wait3A_157 = arith.constant 0 : i32
    %dma_wait3A_158 = tpu.memref_slice %arg8[%dma_wait3A_154, %dma_wait3A_156, %dma_wait3A_157] : memref<4x16x512xf32, #tpu.memory_space<vmem>> -> memref<1x16x512xf32, #tpu.memory_space<vmem>>
    %dma_wait3A_159 = tpu.memref_squeeze %dma_wait3A_158 : memref<1x16x512xf32, #tpu.memory_space<vmem>> -> memref<16x512xf32, #tpu.memory_space<vmem>>
    %dma_wait3A_160 = arith.constant 0 : i32
    %dma_wait3A_161 = tpu.memref_slice %arg4[%dma_wait3A_155, %mul3A_2, %dma_wait3A_160] : memref<4x1024x8192xf32, #tpu.memory_space<hbm>> -> memref<1x16x512xf32, #tpu.memory_space<hbm>>
    %dma_wait3A_162 = tpu.memref_squeeze %dma_wait3A_161 : memref<1x16x512xf32, #tpu.memory_space<hbm>> -> memref<16x512xf32, #tpu.memory_space<hbm>>
    %dma_wait3A_163 = arith.constant 0 : i32
    %dma_wait3A_164 = tpu.memref_slice %arg4[%dma_wait3A_155, %mul3A_2, %dma_wait3A_163] : memref<4x1024x8192xf32, #tpu.memory_space<hbm>> -> memref<1x16x512xf32, #tpu.memory_space<hbm>>
    %dma_wait3A_165 = tpu.memref_squeeze %dma_wait3A_164 : memref<1x16x512xf32, #tpu.memory_space<hbm>> -> memref<16x512xf32, #tpu.memory_space<hbm>>
    %dma_wait3A_166 = arith.constant 0 : i32
    %dma_wait3A_167 = arith.constant 0 : i32
    %dma_wait3A_168 = tpu.memref_slice %arg8[%dma_wait3A_154, %dma_wait3A_166, %dma_wait3A_167] : memref<4x16x512xf32, #tpu.memory_space<vmem>> -> memref<1x16x512xf32, #tpu.memory_space<vmem>>
    %dma_wait3A_169 = tpu.memref_squeeze %dma_wait3A_168 : memref<1x16x512xf32, #tpu.memory_space<vmem>> -> memref<16x512xf32, #tpu.memory_space<vmem>>
    tpu.wait_dma2 semaphore(%arg12 : memref<!tpu.dma_semaphore, #tpu.memory_space<semaphore_mem>>) src(%dma_wait3A_169 : memref<16x512xf32, #tpu.memory_space<vmem>>) dst(%dma_wait3A_165 : memref<16x512xf32, #tpu.memory_space<hbm>>)
    %dma_wait3A_170 = arith.constant 2 : i32
    %dma_wait3A_171 = arith.constant 2 : i32
    %dma_wait3A_172 = arith.constant 0 : i32
    %dma_wait3A_173 = arith.constant 0 : i32
    %dma_wait3A_174 = tpu.memref_slice %arg8[%dma_wait3A_170, %dma_wait3A_172, %dma_wait3A_173] : memref<4x16x512xf32, #tpu.memory_space<vmem>> -> memref<1x16x512xf32, #tpu.memory_space<vmem>>
    %dma_wait3A_175 = tpu.memref_squeeze %dma_wait3A_174 : memref<1x16x512xf32, #tpu.memory_space<vmem>> -> memref<16x512xf32, #tpu.memory_space<vmem>>
    %dma_wait3A_176 = arith.constant 0 : i32
    %dma_wait3A_177 = tpu.memref_slice %arg4[%dma_wait3A_171, %mul3A_2, %dma_wait3A_176] : memref<4x1024x8192xf32, #tpu.memory_space<hbm>> -> memref<1x16x512xf32, #tpu.memory_space<hbm>>
    %dma_wait3A_178 = tpu.memref_squeeze %dma_wait3A_177 : memref<1x16x512xf32, #tpu.memory_space<hbm>> -> memref<16x512xf32, #tpu.memory_space<hbm>>
    %dma_wait3A_179 = arith.constant 0 : i32
    %dma_wait3A_180 = tpu.memref_slice %arg4[%dma_wait3A_171, %mul3A_2, %dma_wait3A_179] : memref<4x1024x8192xf32, #tpu.memory_space<hbm>> -> memref<1x16x512xf32, #tpu.memory_space<hbm>>
    %dma_wait3A_181 = tpu.memref_squeeze %dma_wait3A_180 : memref<1x16x512xf32, #tpu.memory_space<hbm>> -> memref<16x512xf32, #tpu.memory_space<hbm>>
    %dma_wait3A_182 = arith.constant 0 : i32
    %dma_wait3A_183 = arith.constant 0 : i32
    %dma_wait3A_184 = tpu.memref_slice %arg8[%dma_wait3A_170, %dma_wait3A_182, %dma_wait3A_183] : memref<4x16x512xf32, #tpu.memory_space<vmem>> -> memref<1x16x512xf32, #tpu.memory_space<vmem>>
    %dma_wait3A_185 = tpu.memref_squeeze %dma_wait3A_184 : memref<1x16x512xf32, #tpu.memory_space<vmem>> -> memref<16x512xf32, #tpu.memory_space<vmem>>
    tpu.wait_dma2 semaphore(%arg12 : memref<!tpu.dma_semaphore, #tpu.memory_space<semaphore_mem>>) src(%dma_wait3A_185 : memref<16x512xf32, #tpu.memory_space<vmem>>) dst(%dma_wait3A_181 : memref<16x512xf32, #tpu.memory_space<hbm>>)
    %dma_wait3A_186 = arith.constant 3 : i32
    %dma_wait3A_187 = arith.constant 3 : i32
    %dma_wait3A_188 = arith.constant 0 : i32
    %dma_wait3A_189 = arith.constant 0 : i32
    %dma_wait3A_190 = tpu.memref_slice %arg8[%dma_wait3A_186, %dma_wait3A_188, %dma_wait3A_189] : memref<4x16x512xf32, #tpu.memory_space<vmem>> -> memref<1x16x512xf32, #tpu.memory_space<vmem>>
    %dma_wait3A_191 = tpu.memref_squeeze %dma_wait3A_190 : memref<1x16x512xf32, #tpu.memory_space<vmem>> -> memref<16x512xf32, #tpu.memory_space<vmem>>
    %dma_wait3A_192 = arith.constant 0 : i32
    %dma_wait3A_193 = tpu.memref_slice %arg4[%dma_wait3A_187, %mul3A_2, %dma_wait3A_192] : memref<4x1024x8192xf32, #tpu.memory_space<hbm>> -> memref<1x16x512xf32, #tpu.memory_space<hbm>>
    %dma_wait3A_194 = tpu.memref_squeeze %dma_wait3A_193 : memref<1x16x512xf32, #tpu.memory_space<hbm>> -> memref<16x512xf32, #tpu.memory_space<hbm>>
    %dma_wait3A_195 = arith.constant 0 : i32
    %dma_wait3A_196 = tpu.memref_slice %arg4[%dma_wait3A_187, %mul3A_2, %dma_wait3A_195] : memref<4x1024x8192xf32, #tpu.memory_space<hbm>> -> memref<1x16x512xf32, #tpu.memory_space<hbm>>
    %dma_wait3A_197 = tpu.memref_squeeze %dma_wait3A_196 : memref<1x16x512xf32, #tpu.memory_space<hbm>> -> memref<16x512xf32, #tpu.memory_space<hbm>>
    %dma_wait3A_198 = arith.constant 0 : i32
    %dma_wait3A_199 = arith.constant 0 : i32
    %dma_wait3A_200 = tpu.memref_slice %arg8[%dma_wait3A_186, %dma_wait3A_198, %dma_wait3A_199] : memref<4x16x512xf32, #tpu.memory_space<vmem>> -> memref<1x16x512xf32, #tpu.memory_space<vmem>>
    %dma_wait3A_201 = tpu.memref_squeeze %dma_wait3A_200 : memref<1x16x512xf32, #tpu.memory_space<vmem>> -> memref<16x512xf32, #tpu.memory_space<vmem>>
    tpu.wait_dma2 semaphore(%arg12 : memref<!tpu.dma_semaphore, #tpu.memory_space<semaphore_mem>>) src(%dma_wait3A_201 : memref<16x512xf32, #tpu.memory_space<vmem>>) dst(%dma_wait3A_197 : memref<16x512xf32, #tpu.memory_space<hbm>>)
    return
  }
}

</mosaic_0001>

<sc_bundles>
// kernel: kernel.3.cloned.1.call-start
scs
__scs_entry_jumppad:
0x0: {  	(pc) =	sbr.rel $0x88, $3  }
0x1: {  	(tag) =	ssettag $0x0;
	lr =	simm.s32 $0x1  }
0x2: {  	[smem:$0x3F9F] =	sst lr;
	_ =	strace $0xD0000000  }
0x3: {  	_ = 	snop  }
0x4: {  	_ = 	snop  }
0x5: {  	_ = 	snop  }
0x6: {  	_ = 	snop  }
0x7: {  	_ = 	snop  }
__scs_overlays_trampoline_lowered:
0x8: {  	[smem:$0x3FAE] =	sst s0  }
0x9: {  	[smem:$0x3FAF] =	sst s1  }
0xa: {  	[smem:$0x3FB0] =	sst s2  }
0xb: {  	[smem:$0x3FB1] =	sst s3  }
0xc: {  	[smem:$0x3FB2] =	sst s4  }
0xd: {  	[smem:$0x3FB3] =	sst s5  }
0xe: {  	[smem:$0x3FB4] =	sst s6  }
0xf: {  	[smem:$0x3FB5] =	sst s7  }
0x10: {  	[smem:$0x3FB6] =	sst s8  }
0x11: {  	[smem:$0x3FB7] =	sst s9;
	s0 =	simm.s32 @!p0 $0x0  }
0x12: {  	s1 =	sld [smem:$0x3F9D];
	s0 =	simm.s32 @p0 $0x1  }
0x13: {  	[smem:$0x3FB8] =	sst s0;
	s0 =	simm.s32 @!p1 $0x0  }
0x14: {  	s2 =	sld [smem:$0x3F9C];
	s0 =	simm.s32 @p1 $0x1  }
0x15: {  	[smem:$0x3FB9] =	sst s0;
	s0 =	simm.s32 @!p2 $0x0  }
0x16: {  	s3 =	sld [smem:$0x3FDB];
	s0 =	simm.s32 @p2 $0x1  }
0x17: {  	s4 =	simm.s32 $0x1BF5;
	[smem:$0x3FBB] =	sst s0  }
0x18: {  	s0 =	sld [smem:$0x3F9E];
	_ =	swait.ge [sflag:s4], $0x0  }
0x19: {  	s7 =	sld [smem:$0x3F9F]  }
0x1a: {  	s8 =	sadd.s32 $0xFFFFE003, lr  }
0x1b: {  	s9 =	sadd.s32 $0xFFFFFEF7, lr;
	s5 =	simm.s32 $0xFFFFFFFF;
	p2 =	slt.u32 s8, $0xFFFFF086  }
0x1c: {  	p1 =	slt.u32 s9, $0xF7A;
	s5 =	simm.s32 @!p2 $0x0  }
0x1d: {  	s5 =	simm.s32 @p1 $0x1;
	p0 =	seq.s32 s7, s2  }
0x1e: {  	s7 =	smul.u32 @!p0 $0xF7A, s2;
	p2 =	seq.s32 @!p0 s5, $0x0  }
0x1f: {  	s9 =	smul.u32 $0xF7A, s1;
	s8 =	simm.s32 @!p0 $0x1BF5;
	p2 =	por !p2, p0  }
0x20: {  	[sflag:s8] =	ssyncset.s32 @!p0 $0xFFFFF086;
	s6 =	sadd.s32 @!p0 s3, s7;
	s7 =	simm.s32 @!p0 $0x108  }
0x21: {  	s3 =	sadd.s32 s3, s9;
	s6 =	sadd.s32 @!p0 $0x88, s6;
	s7 =	simm.s32 @p2 $0x1082  }
0x22: {  	[simem:s7], [sflag:s8] =	dma.local @!p0 [hbm:s6], $0xF7A  }
0x23: {  	s9 =	sor.u32 $0xD0000000, s2;
	s6 =	simm.s32 $0x108;
	_ =	swait.ge @!p0 [sflag:s8], $0x0  }
0x24: {  	s3 =	sadd.s32 $0x88, s3;
	s6 =	simm.s32 @!p1 $0x1082;
	[sflag:s4] =	ssyncset.s32 $0xFFFFF086  }
0x25: {  	[simem:s6], [sflag:s4] =	dma.local [hbm:s3], $0xF7A  }
0x26: {  	[smem:$0x3F9F] =	sst s1;
	(tag) =	ssettag s2;
	_ =	strace s9  }
0x27: {  	s1 =	sld [smem:$0x3FAF]  }
0x28: {  	s2 =	sld [smem:$0x3FB0]  }
0x29: {  	s4 =	sld [smem:$0x3FB2]  }
0x2a: {  	p0 =	seq.s32 s5, $0x0;
	s5 =	sld [smem:$0x3FB3]  }
0x2b: {  	s6 =	sld [smem:$0x3FB4]  }
0x2c: {  	s7 =	sld [smem:$0x3FB5]  }
0x2d: {  	s3 =	simm.s32 $0x108;
	s8 =	sld [smem:$0x3FB6]  }
0x2e: {  	s3 =	simm.s32 @!p0 $0x1082;
	s9 =	sld [smem:$0x3FB7]  }
0x2f: {  	lr =	sadd.s32 s0, s3;
	s0 =	sld [smem:$0x3FAE]  }
0x30: {  	s3 =	sld [smem:$0x3FB1]  }
0x31: {  	[smem:$0x3FBA] =	sst s10  }
0x32: {  	s10 =	sld [smem:$0x3FB8];
	_ =	sdelay $0x3  }
0x33: {  	p0 =	seq.s32 s10, $0x1;
	s10 =	sld [smem:$0x3FBA];
	_ =	sdelay $0x3  }
0x34: {  	[smem:$0x3FBA] =	sst s10  }
0x35: {  	s10 =	sld [smem:$0x3FB9];
	_ =	sdelay $0x3  }
0x36: {  	p1 =	seq.s32 s10, $0x1;
	s10 =	sld [smem:$0x3FBA];
	_ =	sdelay $0x3  }
0x37: {  	[smem:$0x3FBA] =	sst s10  }
0x38: {  	s10 =	sld [smem:$0x3FBB]  }
0x39: {  	_ = 	snop;
	(pc) =	sbr.ind lr, $3  }
0x3a: {  	_ = 	snop  }
0x3b: {  	_ = 	snop  }
0x3c: {  	p2 =	seq.s32 s10, $0x1;
	s10 =	sld [smem:$0x3FBA]  }
0x3d: {  	_ =	shalt  }
0x3e: {  	_ =	shalt  }
0x3f: {  	_ =	shalt  }
0x40: {  	_ =	shalt  }
0x41: {  	_ =	shalt  }
0x42: {  	_ =	shalt  }
0x43: {  	_ =	shalt  }
0x44: {  	_ =	shalt  }
0x45: {  	_ =	shalt  }
0x46: {  	_ =	shalt  }
0x47: {  	_ =	shalt  }
0x48: {  	_ =	shalt  }
0x49: {  	_ =	shalt  }
0x4a: {  	_ =	shalt  }
0x4b: {  	_ =	shalt  }
0x4c: {  	_ =	shalt  }
0x4d: {  	_ =	shalt  }
0x4e: {  	_ =	shalt  }
0x4f: {  	_ =	shalt  }
0x50: {  	_ =	shalt  }
0x51: {  	_ =	shalt  }
0x52: {  	_ =	shalt  }
0x53: {  	_ =	shalt  }
0x54: {  	_ =	shalt  }
0x55: {  	_ =	shalt  }
0x56: {  	_ =	shalt  }
0x57: {  	_ =	shalt  }
0x58: {  	_ =	shalt  }
0x59: {  	_ =	shalt  }
0x5a: {  	_ =	shalt  }
0x5b: {  	_ =	shalt  }
0x5c: {  	_ =	shalt  }
0x5d: {  	_ =	shalt  }
0x5e: {  	_ =	shalt  }
0x5f: {  	_ =	shalt  }
0x60: {  	_ =	shalt  }
0x61: {  	_ =	shalt  }
0x62: {  	_ =	shalt  }
0x63: {  	_ =	shalt  }
0x64: {  	_ =	shalt  }
0x65: {  	_ =	shalt  }
0x66: {  	_ =	shalt  }
0x67: {  	_ =	shalt  }
0x68: {  	_ =	shalt  }
0x69: {  	_ =	shalt  }
0x6a: {  	_ =	shalt  }
0x6b: {  	_ =	shalt  }
0x6c: {  	_ =	shalt  }
0x6d: {  	_ =	shalt  }
0x6e: {  	_ =	shalt  }
0x6f: {  	_ =	shalt  }
0x70: {  	_ =	shalt  }
0x71: {  	_ =	shalt  }
0x72: {  	_ =	shalt  }
0x73: {  	_ =	shalt  }
0x74: {  	_ =	shalt  }
0x75: {  	_ =	shalt  }
0x76: {  	_ =	shalt  }
0x77: {  	_ =	shalt  }
0x78: {  	_ =	shalt  }
0x79: {  	_ =	shalt  }
0x7a: {  	_ =	shalt  }
0x7b: {  	_ =	shalt  }
0x7c: {  	_ =	shalt  }
0x7d: {  	_ =	shalt  }
0x7e: {  	_ =	shalt  }
0x7f: {  	_ =	shalt  }
0x80: {  	_ =	shalt  }
0x81: {  	_ =	shalt  }
0x82: {  	_ =	shalt  }
0x83: {  	_ =	shalt  }
0x84: {  	_ =	shalt  }
0x85: {  	_ =	shalt  }
0x86: {  	_ =	shalt  }
0x87: {  	_ =	shalt  }
.Lfunc_end0:
.L_simem_size_0:
called_computation.2_lowered:
.L_overlay_start_0:
0x88: {  	s2 =	sld [smem:$0x3FD9]  }
0x89: {  	s3 =	sld [smem:$0x3FFE];
	_ =	sdelay $0x1  }
0x8a: {  	s1 =	srdreg.scid  }
0x8b: {  	s0 =	sand.u32 $0x1, s1  }
0x8c: {  	s17 =	sshll.u32 s0, $0xA;
	s2 =	sadd.s32 s3, s2  }
0x8d: {  	s2 =	sadd.s32 s2, s17  }
0x8e: {  	[smem:$0x3FC6] =	sst s2  }
0x8f: {  	_ = 	snop  }
0x90: {  	s2 =	sld [smem:$0x3FD0];
	(tm) =	ssettm $0x1  }
0x91: {  	s18 =	sld [smem:$0x3FFB];
	_ =	sdelay $0x3  }
0x92: {  	_ =	strace s18  }
0x93: {  	s3 =	sld [smem:$0x3FFC];
	_ =	sdelay $0x3  }
0x94: {  	_ =	strace s3  }
0x95: {  	s3 =	sld [smem:$0x3FFD];
	_ =	sdelay $0x3  }
0x96: {  	_ =	strace s3  }
0x97: {  	_ =	strace $0x8FFFFFFF  }
0x98: {  	s19 =	sld [smem:$0x3FDB];
	_ =	sdelay $0x1  }
0x99: {  	s4 =	simm.s32 $_scs_section_size  }
0x9a: {  	s5 =	simm.s32 $_size__tile_overlayer_lowered;
	s6 =	simm.s32 $_tile_overlayer_lowered  }
0x9b: {  	s22 =	simm.s32 $0x1BFF;
	s21 =	sshll.u32 s6, $0x1;
	s3 =	sadd.s32 s4, s19  }
0x9c: {  	s7 =	simm.s32 $0x0;
	s20 =	sshll.u32 s5, $0x1;
	s5 =	sadd.s32 s21, s3  }
0x9d: {  	[timem:s7], [sflag:s22] =	dma.local [hbm:s5], s20  }
0x9e: {  	_ =	swait.ge [sflag:s22], s20  }
0x9f: {  	s4 =	ssub.s32 $0x0, s20;
	[sflag:s22] =	ssyncset.done $0x0  }
0xa0: {  	[sflag:s22] =	ssyncadd.s32 s4;
	_ =	sdelay $0x1  }
0xa1: {  	s23 =	simm.s32 $0x1B8B  }
0xa2: {  	_ =	swait.ge [sflag:s23], $0x1  }
0xa3: {  	[sflag:s23] =	ssyncset.done $0x0  }
0xa4: {  	s25 =	simm.s32 $0x1B8E;
	s24 =	sld [smem:$0x3FFE];
	[sflag:s23] =	ssyncadd.s32 $0xFFFFFFFF  }
0xa5: {  	s26 =	simm.s32 $execute0_lowered;
	[smem:$0x3FD2] =	sst s25  }
0xa6: {  	s5 =	sshll.u32 s26, $0x1;
	_ =	strace $0x8000004C;
	[dreg:$0x1] =	wrdreg $0xFFFFFFFF  }
0xa7: {  	s28 =	simm.s32 $_size_execute0_lowered;
	s3 =	sadd.s32 s3, s5;
	[dreg:$0x0] =	wrdreg $0x0  }
0xa8: {  	s5 =	sshll.u32 s28, $0x1;
	[dreg:$0x2] =	wrdreg s3  }
0xa9: {  	[dreg:$0x3] =	wrdreg s5  }
0xaa: {  	[dreg:$0x4] =	wrdreg $0xC0  }
0xab: {  	_ =	task [dreg:s7], $0x5FFFF  }
0xac: {  	[dreg:$0x1] =	wrdreg $0xFFFFFFFF  }
0xad: {  	[dreg:$0x0] =	wrdreg $0x60  }
0xae: {  	[dreg:$0x2] =	wrdreg s2  }
0xaf: {  	[dreg:$0x3] =	wrdreg s24  }
0xb0: {  	[dreg:$0x4] =	wrdreg $0x9  }
0xb1: {  	_ =	task.clear_ibuf [dreg:s7], $0x5FFFF;
	_ =	strace $0x9000004C  }
0xb2: {  	s29 =	simm.s32 $0x9;
	_ =	strace $0x8000004E  }
0xb3: {  	_ =	swait.ge [sflag:s29], $0x1  }
0xb4: {  	[sflag:s29] =	ssyncadd.s32 $0xFFFFFFFF  }
0xb5: {  	_ =	strace $0x9000004E  }
0xb6: {  	_ =	sfence  }
0xb7: {  	s30 =	sld [smem:$0x0];
	_ =	sdelay $0x2  }
0xb8: {  	s31 =	sshll.u32 s1, $0xD;
	s1 =	sshrl.u32 s1, $0x2  }
0xb9: {  	s3 =	sand.u32 $0x4000, s31;
	s1 =	sadd.s32 s1, s30  }
0xba: {  	s0 =	sor.u32 s3, s0;
	s1 =	sshll.u32 s1, $0x11  }
0xbb: {  	s0 =	sor.u32 s1, s0  }
0xbc: {  	s0 =	sadd.s32 $0x8F2B, s0  }
0xbd: {  	[sflag:s0] =	ssyncadd.remote.s32 $0x1  }
0xbe: {  	_ =	sfence.sel $0xFFFF  }
0xbf: {  	[dreg:$0x0] =	wrdreg $0xFFFFFFFF;
	(pc) =	sbr.abs _section_cstart, $3  }
0xc0: {  	[dreg:$0x1] =	wrdreg $0xFFFFFFFF  }
0xc1: {  	_ =	task.clear_ibuf [dreg:s7], $0x2FFFF;
	_ =	strace $0x9FFFFFFF  }
0xc2: {  	(tm) =	ssettm $0x7FFFFFFF  }
0xc3: {  	_ =	shalt  }
tec
execute0_lowered:
.L_overlay_start_1:
0x0: {  	(tag) =	ssettag $0x1  }
0x1: {  	s1 =	rddreg [dreg:$0x0]  }
0x2: {  	s0 =	rddreg [dreg:$0x1];
	s2 =	simm.s32 $0x0  }
0x3: {  	s3 =	srdreg.scid;
	s13 =	stileid.u32;
	s28 =	simm.s32 $0x8000  }
0x4: {  	s29 =	simm.s32 $0xA000;
	s30 =	simm.s32 $0xC000;
	s31 =	simm.s32 $0xE000  }
0x5: {  	[smem:$0x7FF] =	sst s2;
	s4 =	sadd.s32 $0x100C00, s0;
	s3 =	sand.u32 $0x1, s3  }
0x6: {  	s7 =	sshll.u32 s13, $0x5;
	s5 =	sadd.s32 $0x200C00, s0;
	s16 =	sshll.u32 s13, $0x12  }
0x7: {  	_ =	strace $0x8000004D;
	s6 =	ssub.s32 $0x2, s3;
	s8 =	sshll.u32 s3, $0x4  }
0x8: {  	s3 =	sshll.u32 s3, $0x11;
	s13 =	smov.u32 s4;
	s14 =	sshrl.u32 s6, $0x1  }
0x9: {  	s7 =	sor.u32 s8, s7;
	s3 =	sor.u32 s3, s16;
	s0 =	ssub.s32 s6, s14  }
0xa: {  	s15 =	sshrl.u32 s7, $0x3;
	s8 =	sshll.u32 s7, $0xA;
	s21 =	sshrl.u32 s3, $0x3  }
0xb: {  	s23 =	sor.u32 $0x200, s3;
	s24 =	sor.u32 $0x80000, s7;
	s3 =	sor.u32 $0x400, s3  }
0xc: {  	s26 =	sor.u32 $0x100000, s7;
	s7 =	simm.s32 $0x1;
	s6 =	simm.s32 $0x0  }
0xd: {  	s9 =	sadd.s32 s1, s8;
	s17 =	sadd.s32 s4, s15;
	s0 =	smax.u32 s0, $0x1  }
0xe: {  	[dreg:$0xa] =	wrdreg s21;
	s22 =	sadd.s32 s21, s5;
	s14 =	sshrl.u32 s23, $0x3  }
0xf: {  	s25 =	sshrl.u32 s3, $0x3;
	[dreg:$0xc] =	wrdreg s26;
	s21 =	simm.s32 $0x10  }
0x10: {  	s23 =	simm.s32 $0x200;
	s26 =	simm.s32 $0x6000;
	[dreg:$0x4] =	wrdreg s17  }
0x11: {  	s3 =	simm.s32 $0x12000;
	s8 =	simm.s32 $0x2;
	[dreg:$0x3] =	wrdreg s9  }
0x12: {  	s18 =	sadd.s32 $0x100000, s9;
	s19 =	sadd.s32 $0x200000, s9;
	[dreg:$0x8] =	wrdreg s0  }
0x13: {  	s20 =	sadd.s32 $0x300000, s9;
	[dreg:$0x9] =	wrdreg s22;
	s15 =	sadd.s32 s14, s5  }
.Ltmp0:
0x14: {  	s0 =	sshrl.u32 s24, $0x3;
	s17 =	sadd.s32 s14, s1;
	(pc) =	sbr.rel .LBB2_1-.Ltmp0, $4  }
0x15: {  	s16 =	smov.u32 s25;
	s22 =	simm.s32 $0x400;
	[dreg:$0x5] =	wrdreg s18  }
0x16: {  	s24 =	simm.s32 $0x2000;
	s9 =	simm.s32 $0x3;
	[dreg:$0x6] =	wrdreg s19  }
0x17: {  	[dreg:$0x7] =	wrdreg s20;
	s0 =	sadd.s32 s0, s4;
	s19 =	sadd.s32 s25, s1  }
0x18: {  	s25 =	simm.s32 $0x4000;
	[dreg:$0xb] =	wrdreg s0;
	s0 =	simm.s32 $0x10000  }
.LBB2_4:
0x19: {  	s4 =	simm.s32 $0x4  }
0x1a: {  	_ =	swait.ge [sflag:s4], $0x2000  }
0x1b: {  	[sflag:s4] =	ssyncset.done $0x0  }
0x1c: {  	[sflag:s4] =	ssyncadd.s32 $0xFFFFE000  }
0x1d: {  	_ =	swait.ge [sflag:s4], $0x2000  }
0x1e: {  	[sflag:s4] =	ssyncset.done $0x0  }
0x1f: {  	[sflag:s4] =	ssyncadd.s32 $0xFFFFE000  }
0x20: {  	_ =	swait.ge [sflag:s4], $0x2000  }
0x21: {  	[sflag:s4] =	ssyncset.done $0x0  }
0x22: {  	[sflag:s4] =	ssyncadd.s32 $0xFFFFE000  }
0x23: {  	_ =	swait.ge [sflag:s4], $0x2000  }
0x24: {  	s6 =	rddreg [dreg:$0xd]  }
0x25: {  	s2 =	rddreg [dreg:$0x8];
	s6 =	sadd.s32 $0x1, s6  }
0x26: {  	p0 =	sne.s32 s6, s2  }
.Ltmp1:
0x27: {  	_ = 	snop;
	(pc) =	sbr.rel @!p0 .LBB2_5-.Ltmp1, $3  }
0x28: {  	_ =	sdelay $0x1  }
0x29: {  	[sflag:s4] =	ssyncset.done $0x0  }
0x2a: {  	[sflag:s4] =	ssyncadd.s32 $0xFFFFE000  }
.LBB2_1:
0x2b: {  	[dreg:$0xd] =	wrdreg s6  }
0x2c: {  	s4 =	rddreg [dreg:$0x4]  }
0x2d: {  	s2 =	simm.s32 $0x0;
	s11 =	rddreg [dreg:$0x3]  }
0x2e: {  	[tilespmem:s2], [sflag:$0x1] =	stream.strided.gather [hbm4b:s4+s21], $0x2000, s22, s21, $0x38;
	[tilespmem:$0x14000] =	vst v63  }
0x2f: {  	s12 =	rddreg [dreg:$0x5]  }
0x30: {  	[tilespmem:s25], [sflag:$0x1] =	stream.strided.gather [hbm4b:s11+s23], $0x2000, s24, s23, $0x38;
	[tilespmem:$0x14000] =	vst v63  }
0x31: {  	s18 =	rddreg [dreg:$0x6]  }
0x32: {  	[tilespmem:s26], [sflag:$0x1] =	stream.strided.gather [hbm4b:s12+s23], $0x2000, s24, s23, $0x38;
	[tilespmem:$0x14000] =	vst v63  }
0x33: {  	s20 =	rddreg [dreg:$0x7]  }
0x34: {  	[tilespmem:s28], [sflag:$0x1] =	stream.strided.gather [hbm4b:s18+s23], $0x2000, s24, s23, $0x38;
	[tilespmem:$0x14000] =	vst v63  }
0x35: {  	s18 =	rddreg [dreg:$0xb]  }
0x36: {  	[tilespmem:s29], [sflag:$0x1] =	stream.strided.gather [hbm4b:s20+s23], $0x2000, s24, s23, $0x38;
	[tilespmem:$0x14000] =	vst v63  }
0x37: {  	s6 =	simm.s32 $0x0;
	s20 =	rddreg [dreg:$0xc]  }
.LBB2_2:
0x38: {  	p0 =	seq.s32 s6, $0x0  }
0x39: {  	s10 =	simm.s32 @!p0 $0x4  }
0x3a: {  	_ =	swait.ge @!p0 [sflag:s10], $0x2000  }
0x3b: {  	[sflag:s10] =	ssyncset.done @!p0 $0x0  }
0x3c: {  	[sflag:s10] =	ssyncadd.s32 @!p0 $0xFFFFE000  }
0x3d: {  	_ =	swait.ge @!p0 [sflag:s10], $0x2000  }
0x3e: {  	[sflag:s10] =	ssyncset.done @!p0 $0x0  }
0x3f: {  	[sflag:s10] =	ssyncadd.s32 @!p0 $0xFFFFE000  }
0x40: {  	_ =	swait.ge @!p0 [sflag:s10], $0x2000  }
0x41: {  	[sflag:s10] =	ssyncset.done @!p0 $0x0  }
0x42: {  	[sflag:s10] =	ssyncadd.s32 @!p0 $0xFFFFE000  }
0x43: {  	_ =	swait.ge @!p0 [sflag:s10], $0x2000  }
0x44: {  	[sflag:s10] =	ssyncset.done @!p0 $0x0  }
0x45: {  	[sflag:s10] =	ssyncadd.s32 @!p0 $0xFFFFE000  }
0x46: {  	[tilespmem:s24], [sflag:$0x2] =	stream.strided.gather [hbm4b:s18+s21], $0x2000, s22, s21, $0x38;
	[tilespmem:$0x14000] =	vst v63  }
0x47: {  	s11 =	sadd.s32 s6, s14;
	s12 =	sadd.s32 s6, s17  }
0x48: {  	[tilespmem:s30], [sflag:$0x2] =	stream.strided.gather [hbm4b:s12+s23], $0x2000, s24, s23, $0x38;
	[tilespmem:$0x14000] =	vst v63  }
0x49: {  	s12 =	sor.u32 $0x100000, s11  }
0x4a: {  	s2 =	sadd.s32 s1, s12  }
0x4b: {  	[tilespmem:s31], [sflag:$0x2] =	stream.strided.gather [hbm4b:s2+s23], $0x2000, s24, s23, $0x38;
	[tilespmem:$0x14000] =	vst v63  }
0x4c: {  	s2 =	sor.u32 $0x200000, s11  }
0x4d: {  	s4 =	sadd.s32 s1, s2  }
0x4e: {  	[tilespmem:s0], [sflag:$0x2] =	stream.strided.gather [hbm4b:s4+s23], $0x2000, s24, s23, $0x38;
	[tilespmem:$0x14000] =	vst v63  }
0x4f: {  	s4 =	sor.u32 $0x300000, s11  }
0x50: {  	s10 =	sadd.s32 s1, s4  }
0x51: {  	[tilespmem:s3], [sflag:$0x2] =	stream.strided.gather [hbm4b:s10+s23], $0x2000, s24, s23, $0x38;
	[tilespmem:$0x14000] =	vst v63  }
0x52: {  	_ =	swait.ge [sflag:s7], $0x2000  }
0x53: {  	[sflag:s7] =	ssyncset.done $0x0  }
0x54: {  	[sflag:s7] =	ssyncadd.s32 $0xFFFFE000  }
0x55: {  	_ =	swait.ge [sflag:s7], $0x2000  }
0x56: {  	[sflag:s7] =	ssyncset.done $0x0  }
0x57: {  	[sflag:s7] =	ssyncadd.s32 $0xFFFFE000  }
0x58: {  	_ =	swait.ge [sflag:s7], $0x2000  }
0x59: {  	[sflag:s7] =	ssyncset.done $0x0  }
0x5a: {  	[sflag:s7] =	ssyncadd.s32 $0xFFFFE000  }
0x5b: {  	_ =	swait.ge [sflag:s7], $0x2000  }
0x5c: {  	[sflag:s7] =	ssyncset.done $0x0  }
0x5d: {  	[sflag:s7] =	ssyncadd.s32 $0xFFFFE000  }
0x5e: {  	_ =	swait.ge [sflag:s7], $0x2000  }
0x5f: {  	s11 =	rddreg [dreg:$0xa]  }
0x60: {  	[sflag:s7] =	ssyncset.done $0x0;
	s10 =	sadd.s32 s6, s11;
	s11 =	rddreg [dreg:$0x9]  }
0x61: {  	[sflag:s7] =	ssyncadd.s32 $0xFFFFE000;
	s11 =	sadd.s32 s6, s11  }
0x62: {  	[hbm4b:s11+s23] =	stream.strided.scatter [tilespmem:s25], [sflag:$0x3], $0x2000, s24, s23, $0x38;
	[tilespmem:$0x14000] =	vst v63  }
0x63: {  	s11 =	sor.u32 $0x100000, s10  }
0x64: {  	s11 =	sadd.s32 s5, s11  }
0x65: {  	[hbm4b:s11+s23] =	stream.strided.scatter [tilespmem:s26], [sflag:$0x3], $0x2000, s24, s23, $0x38;
	[tilespmem:$0x14000] =	vst v63  }
0x66: {  	s11 =	sor.u32 $0x200000, s10  }
0x67: {  	s10 =	sor.u32 $0x300000, s10;
	s11 =	sadd.s32 s5, s11  }
0x68: {  	[hbm4b:s11+s23] =	stream.strided.scatter [tilespmem:s28], [sflag:$0x3], $0x2000, s24, s23, $0x38;
	[tilespmem:$0x14000] =	vst v63  }
0x69: {  	s10 =	sadd.s32 s5, s10  }
0x6a: {  	[hbm4b:s10+s23] =	stream.strided.scatter [tilespmem:s29], [sflag:$0x3], $0x2000, s24, s23, $0x38;
	[tilespmem:$0x14000] =	vst v63  }
0x6b: {  	_ =	swait.ge [sflag:s8], $0x2000  }
0x6c: {  	[sflag:s8] =	ssyncset.done $0x0  }
0x6d: {  	[sflag:s8] =	ssyncadd.s32 $0xFFFFE000  }
0x6e: {  	_ =	swait.ge [sflag:s8], $0x2000  }
0x6f: {  	[sflag:s8] =	ssyncset.done $0x0  }
0x70: {  	[sflag:s8] =	ssyncadd.s32 $0xFFFFE000  }
0x71: {  	_ =	swait.ge [sflag:s8], $0x2000  }
0x72: {  	[sflag:s8] =	ssyncset.done $0x0  }
0x73: {  	[sflag:s8] =	ssyncadd.s32 $0xFFFFE000  }
0x74: {  	_ =	swait.ge [sflag:s8], $0x2000  }
0x75: {  	[sflag:s8] =	ssyncset.done $0x0  }
0x76: {  	[sflag:s8] =	ssyncadd.s32 $0xFFFFE000  }
0x77: {  	_ =	swait.ge [sflag:s8], $0x2000  }
0x78: {  	[sflag:s8] =	ssyncset.done $0x0  }
0x79: {  	s11 =	sadd.s32 s6, s15;
	[sflag:s8] =	ssyncadd.s32 $0xFFFFE000  }
0x7a: {  	[hbm4b:s11+s23] =	stream.strided.scatter [tilespmem:s30], [sflag:$0x4], $0x2000, s24, s23, $0x38;
	[tilespmem:$0x14000] =	vst v63  }
0x7b: {  	s11 =	sadd.s32 s5, s12  }
0x7c: {  	[hbm4b:s11+s23] =	stream.strided.scatter [tilespmem:s31], [sflag:$0x4], $0x2000, s24, s23, $0x38;
	[tilespmem:$0x14000] =	vst v63  }
0x7d: {  	s2 =	sadd.s32 s5, s2  }
0x7e: {  	[hbm4b:s2+s23] =	stream.strided.scatter [tilespmem:s0], [sflag:$0x4], $0x2000, s24, s23, $0x38;
	[tilespmem:$0x14000] =	vst v63  }
0x7f: {  	s12 =	sadd.s32 s5, s4  }
0x80: {  	[hbm4b:s12+s23] =	stream.strided.scatter [tilespmem:s3], [sflag:$0x4], $0x2000, s24, s23, $0x38;
	[tilespmem:$0x14000] =	vst v63  }
0x81: {  	_ =	swait.ge [sflag:s9], $0x2000  }
0x82: {  	[sflag:s9] =	ssyncset.done $0x0  }
0x83: {  	[sflag:s9] =	ssyncadd.s32 $0xFFFFE000  }
0x84: {  	_ =	swait.ge [sflag:s9], $0x2000  }
0x85: {  	[sflag:s9] =	ssyncset.done $0x0  }
0x86: {  	[sflag:s9] =	ssyncadd.s32 $0xFFFFE000  }
0x87: {  	p0 =	seq.s32 s6, $0x380;
	_ =	swait.ge [sflag:s9], $0x2000  }
.Ltmp2:
0x88: {  	[sflag:s9] =	ssyncset.done $0x0;
	(pc) =	sbr.rel @p0 .LBB2_4-.Ltmp2, $4  }
0x89: {  	[sflag:s9] =	ssyncadd.s32 $0xFFFFE000  }
0x8a: {  	_ =	swait.ge [sflag:s9], $0x2000  }
0x8b: {  	[sflag:s9] =	ssyncset.done $0x0  }
0x8c: {  	[sflag:s9] =	ssyncadd.s32 $0xFFFFE000  }
0x8d: {  	s2 =	sshrl.u32 s20, $0x3  }
0x8e: {  	s4 =	simm.s32 $0x0;
	s2 =	sadd.s32 s13, s2  }
0x8f: {  	[tilespmem:s4], [sflag:$0x1] =	stream.strided.gather [hbm4b:s2+s21], $0x2000, s22, s21, $0x38;
	[tilespmem:$0x14000] =	vst v63  }
0x90: {  	s2 =	sadd.s32 s6, s16  }
0x91: {  	s10 =	sadd.s32 s6, s19;
	s11 =	sor.u32 $0x100000, s2  }
0x92: {  	[tilespmem:s25], [sflag:$0x1] =	stream.strided.gather [hbm4b:s10+s23], $0x2000, s24, s23, $0x38;
	[tilespmem:$0x14000] =	vst v63  }
0x93: {  	s4 =	sadd.s32 s1, s11  }
0x94: {  	[tilespmem:s26], [sflag:$0x1] =	stream.strided.gather [hbm4b:s4+s23], $0x2000, s24, s23, $0x38;
	[tilespmem:$0x14000] =	vst v63  }
.Ltmp3:
0x95: {  	s12 =	sor.u32 $0x200000, s2;
	(pc) =	sbr.rel .LBB2_2-.Ltmp3, $4  }
0x96: {  	s18 =	sadd.s32 $0x20000, s18;
	s2 =	sor.u32 $0x300000, s2;
	s4 =	sadd.s32 s1, s12  }
0x97: {  	[tilespmem:s28], [sflag:$0x1] =	stream.strided.gather [hbm4b:s4+s23], $0x2000, s24, s23, $0x38;
	[tilespmem:$0x14000] =	vst v63  }
0x98: {  	s20 =	sadd.s32 $0x100000, s20;
	s6 =	sadd.s32 $0x80, s6;
	s2 =	sadd.s32 s1, s2  }
0x99: {  	[tilespmem:s29], [sflag:$0x1] =	stream.strided.gather [hbm4b:s2+s23], $0x2000, s24, s23, $0x38;
	[tilespmem:$0x14000] =	vst v63  }
.LBB2_5:
0x9a: {  	_ =	sfence.sel $0x180000  }
0x9b: {  	[bflag:$0x0] =	sbarrier.arrive $0xFFFF  }
0x9c: {  	_ =	strace $0x9000004D  }
0x9d: {  	s0 =	stileid.u32;
	[bflag:$0x2] =	sbarrier.arrive $0xFFFF  }
0x9e: {  	p0 =	sne.s32 s0, $0x0;
	s0 =	rddreg [dreg:$0x2]  }
0x9f: {  	s0 =	sadd.s32 @!p0 $0x100000, s0  }
0xa0: {  	[sflag:s0] =	ssyncadd.tile.s32 @!p0 $0x1;
	_ =	shalt  }
.Lfunc_end2:
_tile_overlayer_lowered:
.L_overlay_start_2:
0xa1: {  	(tag) =	ssettag $0x2  }
0xa2: {  	s0 =	rddreg [dreg:$0x0];
	s2 =	stileid.u32  }
0xa3: {  	s1 =	rddreg [dreg:$0x1];
	p0 =	sne.s32 s2, $0x0  }
0xa4: {  	s3 =	rddreg [dreg:$0x2];
	[bflag:$0x3] =	sbarrier.arrive $0xFFFF;
	s2 =	simm.s32 @!p0 $0x1C05  }
0xa5: {  	[timem:s3], [sflag:s2] =	dma.local @!p0 [hbm:s0], s1  }
0xa6: {  	s0 =	simm.s32 @!p0 $0x5  }
0xa7: {  	_ =	swait.ge @!p0 [sflag:s0], s1  }
0xa8: {  	s1 =	ssub.s32 @!p0 $0x0, s1;
	[sflag:s0] =	ssyncset.done @!p0 $0x0  }
0xa9: {  	[sflag:s0] =	ssyncadd.s32 @!p0 s1  }
0xaa: {  	[bflag:$0x3] =	sbarrier.arrive $0xFFFF  }
0xab: {  	_ =	shalt  }

// kernel: sparse-core-data-format-call.1.cloned.1.call-start
scs
called_computation.1_lowered:
.L_overlay_start_0:
0x0: {  	s2 =	sld [smem:$0x3FD9]  }
0x1: {  	s3 =	sld [smem:$0x3FFE];
	_ =	sdelay $0x1  }
0x2: {  	s1 =	srdreg.scid  }
0x3: {  	s0 =	sand.u32 $0x1, s1  }
0x4: {  	s19 =	sshll.u32 s0, $0xA;
	s2 =	sadd.s32 s3, s2  }
0x5: {  	s2 =	sadd.s32 s2, s19  }
0x6: {  	[smem:$0x3FC6] =	sst s2  }
0x7: {  	_ = 	snop  }
0x8: {  	s20 =	sld [smem:$0x3FC9]  }
0x9: {  	s4 =	sld [smem:$0x3FD0];
	(tm) =	ssettm $0x1  }
0xa: {  	s21 =	sld [smem:$0x3FFB];
	_ =	sdelay $0x3  }
0xb: {  	_ =	strace s21  }
0xc: {  	s2 =	sld [smem:$0x3FFC];
	_ =	sdelay $0x3  }
0xd: {  	_ =	strace s2  }
0xe: {  	s2 =	sld [smem:$0x3FFD];
	_ =	sdelay $0x3  }
0xf: {  	_ =	strace s2  }
0x10: {  	_ =	strace $0x8FFFFFFF  }
0x11: {  	s22 =	sld [smem:$0x3FDB];
	_ =	sdelay $0x1  }
0x12: {  	s5 =	simm.s32 $_scs_section_size  }
0x13: {  	s6 =	simm.s32 $_size__tile_overlayer_lowered;
	s7 =	simm.s32 $_tile_overlayer_lowered  }
0x14: {  	s8 =	simm.s32 $0x1BFF;
	s23 =	sshll.u32 s7, $0x1;
	s5 =	sadd.s32 s5, s22  }
0x15: {  	s24 =	simm.s32 $0x0;
	s6 =	sshll.u32 s6, $0x1;
	s7 =	sadd.s32 s23, s5  }
0x16: {  	[timem:s24], [sflag:s8] =	dma.local [hbm:s7], s6  }
0x17: {  	_ =	swait.ge [sflag:s8], s6  }
0x18: {  	s6 =	ssub.s32 $0x0, s6;
	[sflag:s8] =	ssyncset.done $0x0  }
0x19: {  	[sflag:s8] =	ssyncadd.s32 s6;
	_ =	sdelay $0x1  }
0x1a: {  	s25 =	simm.s32 $0x1B8B  }
0x1b: {  	_ =	swait.ge [sflag:s25], $0x1  }
0x1c: {  	[sflag:s25] =	ssyncset.done $0x0  }
0x1d: {  	[sflag:s25] =	ssyncadd.s32 $0xFFFFFFFF  }
0x1e: {  	s6 =	sld [smem:$0x0]  }
0x1f: {  	s7 =	sand.u32 $0xFFFFFFFE, s1  }
0x20: {  	p0 =	sne.s32 s1, s7  }
0x21: {  	s7 =	sshll.u32 @p0 s7, $0xE  }
0x22: {  	s7 =	sadd.s32 @p0 $0x11B8D, s7;
	s8 =	sshll.u32 @p0 s6, $0x11  }
0x23: {  	s7 =	sor.u32 @p0 s8, s7  }
0x24: {  	[sflag:s7] =	ssyncadd.remote.s32 @p0 $0x1;
	_ =	sdelay $0x1  }
0x25: {  	s7 =	simm.s32 @p0 $0x1B8D  }
0x26: {  	_ =	swait.eq @p0 [sflag:s7], $0x1  }
0x27: {  	[sflag:s7] =	ssyncadd.s32 @p0 $0xFFFFFFFF  }
0x28: {  	s8 =	sshll.u32 @!p0 s1, $0xE  }
0x29: {  	s8 =	sor.u32 @!p0 $0x4000, s8;
	s7 =	simm.s32 @!p0 $0x1B8D  }
0x2a: {  	s6 =	sshll.u32 @!p0 s6, $0x11;
	s8 =	sadd.s32 @!p0 $0x11B8D, s8;
	_ =	swait.eq @!p0 [sflag:s7], $0x1  }
0x2b: {  	s6 =	sor.u32 @!p0 s6, s8;
	[sflag:s7] =	ssyncadd.s32 @!p0 $0xFFFFFFFF  }
0x2c: {  	s26 =	simm.s32 $0x1B8E;
	[sflag:s6] =	ssyncadd.remote.s32 @!p0 $0x1  }
0x2d: {  	s27 =	simm.s32 $execute0_lowered;
	[smem:$0x3FD2] =	sst s26  }
0x2e: {  	s6 =	sshll.u32 s27, $0x1;
	_ =	strace $0x80000049;
	[dreg:$0x1] =	wrdreg $0xFFFFFFFF  }
0x2f: {  	s28 =	simm.s32 $_size_execute0_lowered;
	s5 =	sadd.s32 s5, s6;
	[dreg:$0x0] =	wrdreg $0x0  }
0x30: {  	s6 =	sshll.u32 s28, $0x1;
	[dreg:$0x2] =	wrdreg s5  }
0x31: {  	[dreg:$0x3] =	wrdreg s6  }
0x32: {  	[dreg:$0x4] =	wrdreg $0xC0  }
0x33: {  	_ =	task [dreg:s24], $0x5FFFF  }
0x34: {  	[dreg:$0x1] =	wrdreg $0xFFFFFFFF  }
0x35: {  	[dreg:$0x0] =	wrdreg $0x60  }
0x36: {  	[dreg:$0x2] =	wrdreg s20  }
0x37: {  	[dreg:$0x3] =	wrdreg s4  }
0x38: {  	[dreg:$0x4] =	wrdreg $0xA  }
0x39: {  	_ =	task.clear_ibuf [dreg:s24], $0x5FFFF;
	_ =	strace $0x90000049  }
0x3a: {  	s29 =	simm.s32 $0xA;
	_ =	strace $0x8000004B  }
0x3b: {  	_ =	swait.ge [sflag:s29], $0x1  }
0x3c: {  	[sflag:s29] =	ssyncadd.s32 $0xFFFFFFFF  }
0x3d: {  	_ =	strace $0x9000004B  }
0x3e: {  	_ =	sfence  }
0x3f: {  	s30 =	sld [smem:$0x0];
	_ =	sdelay $0x2  }
0x40: {  	s31 =	sshll.u32 s1, $0xD;
	s1 =	sshrl.u32 s1, $0x2  }
0x41: {  	s4 =	sand.u32 $0x4000, s31;
	s1 =	sadd.s32 s1, s30  }
0x42: {  	s0 =	sor.u32 s4, s0;
	s1 =	sshll.u32 s1, $0x11  }
0x43: {  	s0 =	sor.u32 s1, s0  }
0x44: {  	s0 =	sadd.s32 $0x8F2B, s0  }
0x45: {  	[sflag:s0] =	ssyncadd.remote.s32 $0x1  }
0x46: {  	_ =	sfence.sel $0xFFFF  }
0x47: {  	[dreg:$0x0] =	wrdreg $0xFFFFFFFF;
	(pc) =	sbr.abs _section_cstart, $3  }
0x48: {  	[dreg:$0x1] =	wrdreg $0xFFFFFFFF  }
0x49: {  	_ =	task.clear_ibuf [dreg:s24], $0x2FFFF;
	_ =	strace $0x9FFFFFFF  }
0x4a: {  	(tm) =	ssettm $0x7FFFFFFF  }
0x4b: {  	_ =	shalt  }
tec
execute0_lowered:
.L_overlay_start_1:
0x0: {  	(tag) =	ssettag $0x1  }
0x1: {  	s2 =	rddreg [dreg:$0x0]  }
0x2: {  	s3 =	rddreg [dreg:$0x1]  }
0x3: {  	s0 =	rddreg [dreg:$0x2];
	_ =	strace $0x8000004A  }
0x4: {  	s4 =	srdreg.scid;
	s1 =	stileid.u32;
	s6 =	simm.s32 $0x2  }
.Ltmp0:
0x5: {  	s11 =	simm.s32 $0x0;
	p0 =	por $0x0, $0x0;
	(pc) =	sbr.rel .LBB1_1-.Ltmp0, $4  }
0x6: {  	s7 =	simm.s32 $0x2000;
	s12 =	simm.s32 $0x0;
	s5 =	sshll.u32 s4, $0x4  }
0x7: {  	s9 =	simm.s32 $0x0;
	s4 =	simm.s32 $0x1;
	s5 =	sand.u32 $0x10, s5  }
0x8: {  	s8 =	simm.s32 $0x0;
	[sflag:s4] =	ssyncpa.u1 $0x0;
	s5 =	sor.u32 s1, s5  }
0x9: {  	[sflag:s6] =	ssyncpa.u1 $0x0;
	s6 =	simm.s32 $0x800;
	s10 =	smov.u32 s5  }
.LBB1_7:
0xa: {  	s13 =	sadd.s32 $0x10, s9  }
0xb: {  	s11 =	sadd.s32 $0x20, s10;
	s15 =	smov.u32 s10;
	p2 =	sgt.s32 s13, $0x3F  }
0xc: {  	p1 =	slt.u32 s8, $0x2;
	s15 =	smov.u32 @p2 s11  }
0xd: {  	s8 =	sadd.s32 $0x1, s8;
	s13 =	simm.s32 @p2 $0x0;
	p2 =	sgt.s32 s15, $0x1FF  }
0xe: {  	s15 =	smov.u32 @p2 s5;
	p2 =	sne.s32 s8, $0x42  }
.Ltmp1:
0xf: {  	_ = 	snop;
	(pc) =	sbr.rel @!p2 .LBB1_8-.Ltmp1, $4  }
0x10: {  	s14 =	simm.s32 @!p1 $0x2  }
0x11: {  	s12 =	smov.u32 s10;
	_ =	swait.ge @!p1 [sflag:s14], $0x4000  }
0x12: {  	p0 =	por !p0, !p0;
	s11 =	smov.u32 s9;
	[sflag:s14] =	ssyncset.done @!p1 $0x0  }
0x13: {  	s9 =	smov.u32 s13;
	[sflag:s14] =	ssyncadd.s32 @!p1 $0xFFFFC000;
	s10 =	smov.u32 s15  }
.LBB1_1:
0x14: {  	p1 =	sgt.u32 s8, $0x3F  }
0x15: {  	s13 =	sxor.u32 @!p1 $0xFFFFFFFF, s8;
	s14 =	sshll.u32 @!p1 s10, $0xD  }
0x16: {  	s15 =	sshll.u32 @!p1 s9, $0x7;
	s13 =	sshll.u32 @!p1 s13, $0xE;
	s14 =	sadd.s32 @!p1 s2, s14  }
0x17: {  	s13 =	sand.u32 @!p1 $0x4000, s13;
	s14 =	sadd.s32 @!p1 s15, s14;
	s15 =	simm.s32 @!p1 $0x0  }
0x18: {  	[tilespmem:s13], [sflag:$0x1] =	stream.linear.gather @!p1 [hbm4b:s14+s15], $0x4000, $0x38;
	[tilespmem:$0x10000] =	vst v63  }
0x19: {  	p1 =	seq.s32 s8, $0x0  }
0x1a: {  	p2 =	seq.s32 @!p1 s8, $0x41  }
0x1b: {  	p1 =	por p1, p2  }
.Ltmp2:
0x1c: {  	_ = 	snop;
	(pc) =	sbr.rel @p1 .LBB1_7-.Ltmp2, $1  }
0x1d: {  	_ =	sdelay $0x3  }
0x1e: {  	s13 =	simm.s32 $0x1;
	_ =	swait.ge [sflag:s4], $0x4000;
	s16 =	sshll.u32 s8, $0xE  }
0x1f: {  	s13 =	simm.s32 @!p0 $0x0;
	[sflag:s4] =	ssyncset.done $0x0;
	s31 =	sand.u32 $0x4000, s16  }
0x20: {  	s16 =	simm.s32 $0x0;
	s14 =	sshll.u32 s13, $0xE;
	[sflag:s4] =	ssyncadd.s32 $0xFFFFC000  }
0x21: {  	s13 =	sor.u32 $0x8040, s14;
	s15 =	sor.u32 $0x40, s14;
	s14 =	sor.u32 $0x8000, s31  }
.LBB1_3:
0x22: {  	v0 =	vmov s15;
	_ =	sdelay $0x3  }
0x23: {  	s18 =	simm.s32 $0x0  }
0x24: {  	v6 =	vld.idx.msk [tilespmem:v0+s18+$0x30 ss:$0x1], $0xffff  }
0x25: {  	v7 =	vld.idx.msk [tilespmem:v0+s18+$0xFFFFFFC0 ss:$0x1], $0xffff  }
0x26: {  	v5 =	vld.idx.msk [tilespmem:v0+s18+$0xFFFFFFD0 ss:$0x1], $0xffff  }
0x27: {  	v4 =	vld.idx.msk [tilespmem:v0+s18+$0xFFFFFFE0 ss:$0x1], $0xffff  }
0x28: {  	v3 =	vld.idx.msk [tilespmem:v0+s18+$0xFFFFFFF0 ss:$0x1], $0xffff  }
0x29: {  	v1 =	vld.idx.msk [tilespmem:v0+s18+$0x0 ss:$0x1], $0xffff  }
0x2a: {  	v2 =	vld.idx.msk [tilespmem:v0+s18+$0x10 ss:$0x1], $0xffff;
	[tilespmem:s13+$0x30] =	vst v6  }
0x2b: {  	s17 =	simm.s32 $0x80;
	s19 =	simm.s32 $0x400;
	[tilespmem:s13+$0xFFFFFFC0] =	vst v7;
	v6 =	vld.idx.msk [tilespmem:v0+s18+$0x20 ss:$0x1], $0xffff;
	s18 =	smov.u32 s13  }
.LBB1_4:
0x2c: {  	p1 =	sne.s32 s19, $0xE00;
	v7 =	vld.idx.msk [tilespmem:v0+s17+$0x30 ss:$0x1], $0xffff;
	[tilespmem:s18+$0xFFFFFFD0] =	vst v5  }
0x2d: {  	v8 =	vld.idx.msk [tilespmem:v0+s17+$0xFFFFFFC0 ss:$0x1], $0xffff;
	[tilespmem:s18+$0xFFFFFFE0] =	vst v4  }
0x2e: {  	v5 =	vld.idx.msk [tilespmem:v0+s17+$0xFFFFFFD0 ss:$0x1], $0xffff;
	[tilespmem:s18+$0xFFFFFFF0] =	vst v3  }
.Ltmp3:
0x2f: {  	v4 =	vld.idx.msk [tilespmem:v0+s17+$0xFFFFFFE0 ss:$0x1], $0xffff;
	[tilespmem:s18+$0x0] =	vst v1;
	(pc) =	sbr.rel @p1 .LBB1_4-.Ltmp3, $4  }
0x30: {  	v3 =	vld.idx.msk [tilespmem:v0+s17+$0xFFFFFFF0 ss:$0x1], $0xffff;
	[tilespmem:s18+$0x10] =	vst v2  }
0x31: {  	v1 =	vld.idx.msk [tilespmem:v0+s17+$0x0 ss:$0x1], $0xffff;
	[tilespmem:s18+$0x20] =	vst v6;
	s18 =	sadd.s32 $0x800, s18  }
0x32: {  	v2 =	vld.idx.msk [tilespmem:v0+s17+$0x10 ss:$0x1], $0xffff;
	[tilespmem:s18+$0x30] =	vst v7  }
0x33: {  	[tilespmem:s18+$0xFFFFFFC0] =	vst v8;
	v6 =	vld.idx.msk [tilespmem:v0+s17+$0x20 ss:$0x1], $0xffff;
	s17 =	sshra.s32 s19, $0x2;
	s19 =	sadd.s32 $0x200, s19  }
0x34: {  	_ =	sdelay $0x2  }
0x35: {  	[tilespmem:s18+$0xFFFFFFD0] =	vst v5  }
0x36: {  	v56 =	vld.idx.msk [tilespmem:v0+s17+$0x30 ss:$0x1], $0xffff;
	[tilespmem:s18+$0xFFFFFFE0] =	vst v4  }
0x37: {  	v57 =	vld.idx.msk [tilespmem:v0+s17+$0xFFFFFFC0 ss:$0x1], $0xffff;
	[tilespmem:s18+$0xFFFFFFF0] =	vst v3  }
0x38: {  	v58 =	vld.idx.msk [tilespmem:v0+s17+$0xFFFFFFD0 ss:$0x1], $0xffff;
	[tilespmem:s18+$0x0] =	vst v1  }
0x39: {  	v59 =	vld.idx.msk [tilespmem:v0+s17+$0xFFFFFFE0 ss:$0x1], $0xffff;
	[tilespmem:s18+$0x10] =	vst v2  }
0x3a: {  	v60 =	vld.idx.msk [tilespmem:v0+s17+$0xFFFFFFF0 ss:$0x1], $0xffff;
	s31 =	sadd.s32 $0x800, s18;
	[tilespmem:s18+$0x20] =	vst v6  }
0x3b: {  	v61 =	vld.idx.msk [tilespmem:v0+s17+$0x0 ss:$0x1], $0xffff;
	[tilespmem:s31+$0x30] =	vst v56  }
0x3c: {  	v62 =	vld.idx.msk [tilespmem:v0+s17+$0x10 ss:$0x1], $0xffff;
	s16 =	sadd.s32 $0x1, s16;
	[tilespmem:s31+$0xFFFFFFC0] =	vst v57  }
0x3d: {  	v63 =	vld.idx.msk [tilespmem:v0+s17+$0x20 ss:$0x1], $0xffff;
	p1 =	sne.s32 s16, $0x10;
	[tilespmem:s31+$0xFFFFFFD0] =	vst v58  }
.Ltmp4:
0x3e: {  	[tilespmem:s31+$0xFFFFFFE0] =	vst v59;
	(pc) =	sbr.rel @p1 .LBB1_3-.Ltmp4, $4  }
0x3f: {  	[tilespmem:s31+$0xFFFFFFF0] =	vst v60  }
0x40: {  	[tilespmem:s31+$0x0] =	vst v61  }
0x41: {  	[tilespmem:s31+$0x10] =	vst v62  }
0x42: {  	s13 =	sadd.s32 $0x80, s13;
	s15 =	sadd.s32 $0x400, s15;
	[tilespmem:s31+$0x20] =	vst v63  }
.Ltmp5:
0x43: {  	(pc) =	sbr.rel .LBB1_7-.Ltmp5, $4  }
0x44: {  	s12 =	sshll.u32 s12, $0xD;
	s11 =	sshll.u32 s11, $0x4  }
0x45: {  	s11 =	sand.u32 $0x3F0, s11;
	s12 =	sadd.s32 s3, s12  }
0x46: {  	s11 =	sadd.s32 s11, s12  }
0x47: {  	[hbm4b:s11+s6] =	stream.strided.scatter [tilespmem:s14], [sflag:$0x2], $0x4000, s7, s6, $0x38;
	[tilespmem:$0x10000] =	vst v63  }
.LBB1_8:
0x48: {  	_ =	sfence.sel $0x180000  }
0x49: {  	s2 =	simm.s32 $0x1;
	[bflag:$0x0] =	sbarrier.arrive $0xFFFF  }
0x4a: {  	s31 =	simm.s32 $0x2;
	[sflag:s2] =	ssyncpa.u1 $0x1  }
0x4b: {  	[sflag:s31] =	ssyncpa.u1 $0x1  }
0x4c: {  	p0 =	sne.s32 s1, $0x0;
	_ =	strace $0x9000004A  }
0x4d: {  	s0 =	sadd.s32 @!p0 $0x100000, s0;
	[bflag:$0x2] =	sbarrier.arrive $0xFFFF  }
0x4e: {  	[sflag:s0] =	ssyncadd.tile.s32 @!p0 $0x1;
	_ =	shalt  }
.Lfunc_end1:
_tile_overlayer_lowered:
.L_overlay_start_2:
0x4f: {  	(tag) =	ssettag $0x2  }
0x50: {  	s0 =	rddreg [dreg:$0x0];
	s2 =	stileid.u32  }
0x51: {  	s1 =	rddreg [dreg:$0x1];
	p0 =	sne.s32 s2, $0x0  }
0x52: {  	s3 =	rddreg [dreg:$0x2];
	[bflag:$0x3] =	sbarrier.arrive $0xFFFF;
	s2 =	simm.s32 @!p0 $0x1C01  }
0x53: {  	[timem:s3], [sflag:s2] =	dma.local @!p0 [hbm:s0], s1  }
0x54: {  	s0 =	simm.s32 @!p0 $0x1  }
0x55: {  	_ =	swait.ge @!p0 [sflag:s0], s1  }
0x56: {  	s1 =	ssub.s32 @!p0 $0x0, s1;
	[sflag:s0] =	ssyncset.done @!p0 $0x0  }
0x57: {  	[sflag:s0] =	ssyncadd.s32 @!p0 s1  }
0x58: {  	[bflag:$0x3] =	sbarrier.arrive $0xFFFF  }
0x59: {  	_ =	shalt  }

// kernel: sparse-core-data-format-call.cloned.1.call-start
scs
called_computation_lowered:
.L_overlay_start_0:
0x0: {  	s1 =	sld [smem:$0x3FD9]  }
0x1: {  	s2 =	sld [smem:$0x3FFE];
	_ =	sdelay $0x1  }
0x2: {  	s3 =	srdreg.scid  }
0x3: {  	s0 =	sand.u32 $0x1, s3  }
0x4: {  	s17 =	sshll.u32 s0, $0xA;
	s1 =	sadd.s32 s2, s1  }
0x5: {  	s1 =	sadd.s32 s1, s17  }
0x6: {  	[smem:$0x3FC6] =	sst s1  }
0x7: {  	_ = 	snop  }
0x8: {  	(tm) =	ssettm $0x1  }
0x9: {  	s18 =	sld [smem:$0x3FFB];
	_ =	sdelay $0x3  }
0xa: {  	_ =	strace s18  }
0xb: {  	s1 =	sld [smem:$0x3FFC];
	_ =	sdelay $0x3  }
0xc: {  	_ =	strace s1  }
0xd: {  	s1 =	sld [smem:$0x3FFD];
	_ =	sdelay $0x3  }
0xe: {  	_ =	strace s1  }
0xf: {  	_ =	strace $0x8FFFFFFF  }
0x10: {  	s19 =	sld [smem:$0x3FDB];
	_ =	sdelay $0x1  }
0x11: {  	s20 =	simm.s32 $_scs_section_size  }
0x12: {  	s4 =	simm.s32 $_size__tile_overlayer_lowered;
	s5 =	simm.s32 $_tile_overlayer_lowered  }
0x13: {  	s23 =	simm.s32 $0x1BFF;
	s22 =	sshll.u32 s5, $0x1;
	s1 =	sadd.s32 s20, s19  }
0x14: {  	s6 =	simm.s32 $0x0;
	s21 =	sshll.u32 s4, $0x1;
	s4 =	sadd.s32 s22, s1  }
0x15: {  	[timem:s6], [sflag:s23] =	dma.local [hbm:s4], s21  }
0x16: {  	_ =	swait.ge [sflag:s23], s21  }
0x17: {  	s2 =	ssub.s32 $0x0, s21;
	[sflag:s23] =	ssyncset.done $0x0  }
0x18: {  	[sflag:s23] =	ssyncadd.s32 s2;
	_ =	sdelay $0x1  }
0x19: {  	s24 =	simm.s32 $0x1B8B  }
0x1a: {  	_ =	swait.ge [sflag:s24], $0x1  }
0x1b: {  	[sflag:s24] =	ssyncset.done $0x0  }
0x1c: {  	s26 =	simm.s32 $0x1B8E;
	s25 =	sld [smem:$0x3FFE];
	[sflag:s24] =	ssyncadd.s32 $0xFFFFFFFF  }
0x1d: {  	s27 =	simm.s32 $execute0_lowered;
	[smem:$0x3FD2] =	sst s26  }
0x1e: {  	s4 =	sshll.u32 s27, $0x1;
	_ =	strace $0x80000046;
	[dreg:$0x1] =	wrdreg $0xFFFFFFFF  }
0x1f: {  	s28 =	simm.s32 $_size_execute0_lowered;
	s1 =	sadd.s32 s1, s4;
	[dreg:$0x0] =	wrdreg $0x0  }
0x20: {  	s4 =	sshll.u32 s28, $0x1;
	[dreg:$0x2] =	wrdreg s1  }
0x21: {  	[dreg:$0x3] =	wrdreg s4  }
0x22: {  	[dreg:$0x4] =	wrdreg $0xC0  }
0x23: {  	_ =	task [dreg:s6], $0x5FFFF  }
0x24: {  	[dreg:$0x1] =	wrdreg $0xFFFFFFFF  }
0x25: {  	[dreg:$0x0] =	wrdreg $0x60  }
0x26: {  	[dreg:$0x2] =	wrdreg s25  }
0x27: {  	[dreg:$0x3] =	wrdreg $0x9  }
0x28: {  	_ =	task.clear_ibuf [dreg:s6], $0x4FFFF;
	_ =	strace $0x90000046  }
0x29: {  	s29 =	simm.s32 $0x9;
	_ =	strace $0x80000048  }
0x2a: {  	_ =	swait.ge [sflag:s29], $0x1  }
0x2b: {  	[sflag:s29] =	ssyncadd.s32 $0xFFFFFFFF  }
0x2c: {  	_ =	strace $0x90000048  }
0x2d: {  	_ =	sfence  }
0x2e: {  	s30 =	sld [smem:$0x0];
	_ =	sdelay $0x2  }
0x2f: {  	s31 =	sshll.u32 s3, $0xD;
	s3 =	sshrl.u32 s3, $0x2  }
0x30: {  	s2 =	sand.u32 $0x4000, s31;
	s1 =	sadd.s32 s3, s30  }
0x31: {  	s0 =	sor.u32 s2, s0;
	s1 =	sshll.u32 s1, $0x11  }
0x32: {  	s0 =	sor.u32 s1, s0  }
0x33: {  	s0 =	sadd.s32 $0x8F2B, s0  }
0x34: {  	[sflag:s0] =	ssyncadd.remote.s32 $0x1  }
0x35: {  	_ =	sfence.sel $0xFFFF  }
0x36: {  	[dreg:$0x0] =	wrdreg $0xFFFFFFFF;
	(pc) =	sbr.abs _section_cstart, $3  }
0x37: {  	[dreg:$0x1] =	wrdreg $0xFFFFFFFF  }
0x38: {  	_ =	task.clear_ibuf [dreg:s6], $0x2FFFF;
	_ =	strace $0x9FFFFFFF  }
0x39: {  	(tm) =	ssettm $0x7FFFFFFF  }
tec
execute0_lowered:
.L_overlay_start_1:
0x0: {  	(tag) =	ssettag $0x1  }
0x1: {  	s0 =	srdreg.scid  }
0x2: {  	s1 =	sshll.u32 s0, $0x4  }
0x3: {  	s4 =	rddreg [dreg:$0x0];
	s0 =	stileid.u32;
	s1 =	sand.u32 $0x10, s1  }
0x4: {  	s7 =	simm.s32 $0x1;
	s8 =	simm.s32 $0x2;
	s1 =	sor.u32 s0, s1  }
0x5: {  	s9 =	simm.s32 $0x0;
	s12 =	simm.s32 $0x0;
	s2 =	sshll.u32 s1, $0x1  }
0x6: {  	s11 =	simm.s32 $0x0;
	s3 =	sadd.s32 $0xC00, s4;
	s6 =	ssub.s32 $0x400, s2  }
.Ltmp0:
0x7: {  	s4 =	sadd.s32 $0x100C00, s4;
	s5 =	sand.u32 $0x3E, s6;
	(pc) =	sbr.rel .LBB1_1-.Ltmp0, $4  }
0x8: {  	s1 =	rddreg [dreg:$0x1];
	_ =	strace $0x80000047;
	p0 =	sne.s32 s5, $0x0  }
0x9: {  	s6 =	sshrl.u32 s6, $0x6;
	s5 =	simm.s32 $0x1;
	s7 =	simm.s32 @!p0 $0x0  }
0xa: {  	s10 =	smov.u32 s2;
	[sflag:s5] =	ssyncpa.u1 $0x0;
	s6 =	sadd.s32 s7, s6  }
0xb: {  	[sflag:s8] =	ssyncpa.u1 $0x0;
	s8 =	simm.s32 $0x0;
	s7 =	sadd.s32 $0x1, s6  }
.LBB1_9:
0xc: {  	s14 =	sadd.s32 $0x40, s10  }
0xd: {  	p1 =	sgt.s32 s14, $0x3FF  }
0xe: {  	s14 =	smov.u32 @p1 s2;
	p1 =	sne.s32 s11, s7  }
.Ltmp1:
0xf: {  	p0 =	slt.u32 s11, $0x2;
	(pc) =	sbr.rel @!p1 .LBB1_10-.Ltmp1, $4  }
0x10: {  	s13 =	simm.s32 @!p0 $0x2  }
0x11: {  	s15 =	sadd.s32 $0x1, s11;
	_ =	swait.ge @!p0 [sflag:s13], $0x4000  }
0x12: {  	s12 =	smov.u32 s10;
	s9 =	sadd.s32 $0x4000, s9;
	[sflag:s13] =	ssyncset.done @!p0 $0x0  }
0x13: {  	s11 =	smov.u32 s15;
	s10 =	smov.u32 s14;
	[sflag:s13] =	ssyncadd.s32 @!p0 $0xFFFFC000  }
.LBB1_1:
0x14: {  	p0 =	sge.u32 s11, s6  }
0x15: {  	s13 =	sxor.u32 @!p0 $0xFFFFFFFF, s11  }
0x16: {  	s31 =	sadd.s32 $0xFFFFFFFF, s11;
	s14 =	sshll.u32 @!p0 s10, $0xA;
	s13 =	sshll.u32 @!p0 s13, $0xE  }
0x17: {  	s15 =	simm.s32 @!p0 $0x0;
	s14 =	sadd.s32 @!p0 s3, s14;
	s13 =	sand.u32 @!p0 $0x4000, s13  }
0x18: {  	[tilespmem:s13], [sflag:$0x1] =	stream.linear.gather @!p0 [hbm4b:s14+s15], $0x4000, $0x38;
	[tilespmem:$0x10000] =	vst v63  }
0x19: {  	p0 =	sge.u32 s31, s6  }
.Ltmp2:
0x1a: {  	_ = 	snop;
	(pc) =	sbr.rel @p0 .LBB1_9-.Ltmp2, $1  }
0x1b: {  	_ =	sdelay $0x3  }
0x1c: {  	s13 =	sshll.u32 s9, $0x2  }
0x1d: {  	_ =	swait.ge [sflag:s5], $0x4000;
	s14 =	sshll.u32 s11, $0xE;
	s16 =	simm.s32 $0x0  }
0x1e: {  	p1 =	por $0x1, $0x1;
	s13 =	sand.u32 $0x10000, s13;
	[sflag:s5] =	ssyncset.done $0x0  }
0x1f: {  	s14 =	sand.u32 $0x4000, s14;
	s15 =	sshrl.u32 s13, $0x2;
	[sflag:s5] =	ssyncadd.s32 $0xFFFFC000  }
0x20: {  	s13 =	sor.u32 $0x8000, s14;
	s14 =	sadd.s32 $0x8040, s15;
	s15 =	sadd.s32 $0x40, s15  }
.LBB1_3:
0x21: {  	s16 =	sshll.u32 s16, $0x2  }
0x22: {  	p0 =	por p1, p1;
	s17 =	sshra.s32 s16, $0x2  }
0x23: {  	s18 =	simm.s32 $0x0;
	s16 =	sadd.s32 s17, s14;
	s17 =	sadd.s32 s17, s15  }
.LBB1_4:
0x24: {  	v0 =	vmov s17;
	_ =	sdelay $0x3  }
0x25: {  	s20 =	simm.s32 $0x0  }
0x26: {  	v6 =	vld.idx.msk [tilespmem:v0+s20+$0x30 ss:$0x1], $0xffff  }
0x27: {  	v7 =	vld.idx.msk [tilespmem:v0+s20+$0xFFFFFFC0 ss:$0x1], $0xffff  }
0x28: {  	v5 =	vld.idx.msk [tilespmem:v0+s20+$0xFFFFFFD0 ss:$0x1], $0xffff  }
0x29: {  	v4 =	vld.idx.msk [tilespmem:v0+s20+$0xFFFFFFE0 ss:$0x1], $0xffff  }
0x2a: {  	v3 =	vld.idx.msk [tilespmem:v0+s20+$0xFFFFFFF0 ss:$0x1], $0xffff  }
0x2b: {  	v1 =	vld.idx.msk [tilespmem:v0+s20+$0x0 ss:$0x1], $0xffff  }
0x2c: {  	v2 =	vld.idx.msk [tilespmem:v0+s20+$0x10 ss:$0x1], $0xffff;
	[tilespmem:s16+$0x30] =	vst v6  }
0x2d: {  	s19 =	simm.s32 $0x80;
	s21 =	simm.s32 $0x400;
	[tilespmem:s16+$0xFFFFFFC0] =	vst v7;
	v6 =	vld.idx.msk [tilespmem:v0+s20+$0x20 ss:$0x1], $0xffff;
	s20 =	smov.u32 s16  }
.LBB1_5:
0x2e: {  	p1 =	sne.s32 s21, $0xE00;
	v7 =	vld.idx.msk [tilespmem:v0+s19+$0x30 ss:$0x1], $0xffff;
	[tilespmem:s20+$0xFFFFFFD0] =	vst v5  }
0x2f: {  	v8 =	vld.idx.msk [tilespmem:v0+s19+$0xFFFFFFC0 ss:$0x1], $0xffff;
	[tilespmem:s20+$0xFFFFFFE0] =	vst v4  }
0x30: {  	v5 =	vld.idx.msk [tilespmem:v0+s19+$0xFFFFFFD0 ss:$0x1], $0xffff;
	[tilespmem:s20+$0xFFFFFFF0] =	vst v3  }
.Ltmp3:
0x31: {  	v4 =	vld.idx.msk [tilespmem:v0+s19+$0xFFFFFFE0 ss:$0x1], $0xffff;
	[tilespmem:s20+$0x0] =	vst v1;
	(pc) =	sbr.rel @p1 .LBB1_5-.Ltmp3, $4  }
0x32: {  	v3 =	vld.idx.msk [tilespmem:v0+s19+$0xFFFFFFF0 ss:$0x1], $0xffff;
	[tilespmem:s20+$0x10] =	vst v2  }
0x33: {  	v1 =	vld.idx.msk [tilespmem:v0+s19+$0x0 ss:$0x1], $0xffff;
	[tilespmem:s20+$0x20] =	vst v6;
	s20 =	sadd.s32 $0x400, s20  }
0x34: {  	v2 =	vld.idx.msk [tilespmem:v0+s19+$0x10 ss:$0x1], $0xffff;
	[tilespmem:s20+$0x30] =	vst v7  }
0x35: {  	[tilespmem:s20+$0xFFFFFFC0] =	vst v8;
	v6 =	vld.idx.msk [tilespmem:v0+s19+$0x20 ss:$0x1], $0xffff;
	s19 =	sshra.s32 s21, $0x2;
	s21 =	sadd.s32 $0x200, s21  }
0x36: {  	_ =	sdelay $0x2  }
0x37: {  	[tilespmem:s20+$0xFFFFFFD0] =	vst v5  }
0x38: {  	v56 =	vld.idx.msk [tilespmem:v0+s19+$0x30 ss:$0x1], $0xffff;
	[tilespmem:s20+$0xFFFFFFE0] =	vst v4  }
0x39: {  	v57 =	vld.idx.msk [tilespmem:v0+s19+$0xFFFFFFC0 ss:$0x1], $0xffff;
	[tilespmem:s20+$0xFFFFFFF0] =	vst v3  }
0x3a: {  	v58 =	vld.idx.msk [tilespmem:v0+s19+$0xFFFFFFD0 ss:$0x1], $0xffff;
	[tilespmem:s20+$0x0] =	vst v1  }
0x3b: {  	v59 =	vld.idx.msk [tilespmem:v0+s19+$0xFFFFFFE0 ss:$0x1], $0xffff;
	[tilespmem:s20+$0x10] =	vst v2  }
0x3c: {  	v60 =	vld.idx.msk [tilespmem:v0+s19+$0xFFFFFFF0 ss:$0x1], $0xffff;
	s31 =	sadd.s32 $0x400, s20;
	[tilespmem:s20+$0x20] =	vst v6  }
0x3d: {  	v61 =	vld.idx.msk [tilespmem:v0+s19+$0x0 ss:$0x1], $0xffff;
	[tilespmem:s31+$0x30] =	vst v56  }
0x3e: {  	v62 =	vld.idx.msk [tilespmem:v0+s19+$0x10 ss:$0x1], $0xffff;
	s18 =	sadd.s32 $0x1, s18;
	[tilespmem:s31+$0xFFFFFFC0] =	vst v57  }
0x3f: {  	v63 =	vld.idx.msk [tilespmem:v0+s19+$0x20 ss:$0x1], $0xffff;
	p1 =	sne.s32 s18, $0x8;
	[tilespmem:s31+$0xFFFFFFD0] =	vst v58  }
.Ltmp4:
0x40: {  	[tilespmem:s31+$0xFFFFFFE0] =	vst v59;
	(pc) =	sbr.rel @p1 .LBB1_4-.Ltmp4, $4  }
0x41: {  	[tilespmem:s31+$0xFFFFFFF0] =	vst v60  }
0x42: {  	[tilespmem:s31+$0x0] =	vst v61  }
0x43: {  	[tilespmem:s31+$0x10] =	vst v62  }
0x44: {  	s16 =	sadd.s32 $0x80, s16;
	s17 =	sadd.s32 $0x400, s17;
	[tilespmem:s31+$0x20] =	vst v63  }
.Ltmp5:
0x45: {  	(pc) =	sbr.rel @p0 .LBB1_3-.Ltmp5, $2  }
0x46: {  	_ =	sdelay $0x2  }
0x47: {  	s16 =	simm.s32 $0x2000;
	p1 =	por $0x0, $0x0  }
.Ltmp6:
0x48: {  	(pc) =	sbr.rel .LBB1_9-.Ltmp6, $4  }
0x49: {  	_ = 	snop  }
0x4a: {  	s12 =	sshll.u32 s12, $0xA  }
0x4b: {  	s12 =	sadd.s32 s4, s12  }
0x4c: {  	[hbm4b:s12+s8] =	stream.linear.scatter [tilespmem:s13], [sflag:$0x2], $0x4000, $0x38;
	[tilespmem:$0x10000] =	vst v63  }
.LBB1_10:
0x4d: {  	_ =	sfence.sel $0x180000  }
0x4e: {  	s2 =	simm.s32 $0x1;
	[bflag:$0x0] =	sbarrier.arrive $0xFFFF  }
0x4f: {  	s31 =	simm.s32 $0x2;
	[sflag:s2] =	ssyncpa.u1 $0x1  }
0x50: {  	[sflag:s31] =	ssyncpa.u1 $0x1  }
0x51: {  	p0 =	sne.s32 s0, $0x0;
	_ =	strace $0x90000047  }
0x52: {  	s0 =	sadd.s32 @!p0 $0x100000, s1;
	[bflag:$0x2] =	sbarrier.arrive $0xFFFF  }
0x53: {  	[sflag:s0] =	ssyncadd.tile.s32 @!p0 $0x1;
	_ =	shalt  }
.Lfunc_end1:
_tile_overlayer_lowered:
.L_overlay_start_2:
0x54: {  	(tag) =	ssettag $0x2  }
0x55: {  	s0 =	rddreg [dreg:$0x0];
	s2 =	stileid.u32  }
0x56: {  	s1 =	rddreg [dreg:$0x1];
	p0 =	sne.s32 s2, $0x0  }
0x57: {  	s3 =	rddreg [dreg:$0x2];
	[bflag:$0x3] =	sbarrier.arrive $0xFFFF;
	s2 =	simm.s32 @!p0 $0x1C01  }
0x58: {  	[timem:s3], [sflag:s2] =	dma.local @!p0 [hbm:s0], s1  }
0x59: {  	s0 =	simm.s32 @!p0 $0x1  }
0x5a: {  	_ =	swait.ge @!p0 [sflag:s0], s1  }
0x5b: {  	s1 =	ssub.s32 @!p0 $0x0, s1;
	[sflag:s0] =	ssyncset.done @!p0 $0x0  }
0x5c: {  	[sflag:s0] =	ssyncadd.s32 @!p0 s1  }
0x5d: {  	[bflag:$0x3] =	sbarrier.arrive $0xFFFF  }
0x5e: {  	_ =	shalt  }

</sc_bundles>
